<compile_context>
chip_gen: v7x
topology: tpu7x:2x2x1
jax: 0.10.2.dev20260603
libtpu: 0.0.44.dev20260713+nightly
codegen_flags: <defaults>
</compile_context>

<pallas_src>
import functools

import jax
import jax.numpy as jnp
from jax import lax
from jax.experimental import pallas as pl
from jax.experimental.pallas import tpu as pltpu
from jax.experimental.pallas import tpu_sc as plsc

N = 320000
D = 128
S = 10000

IDROW = 128
IDROWS = N // IDROW
IDROWS_PAD = 2504
NW = 16
UNITS = IDROWS // 8
BIGW = 8
DBROWS = 256
SEG_PER_TILE = 624
SEG_TAIL = S - 16 * SEG_PER_TILE

_mesh = plsc.VectorSubcoreMesh(core_axis_name="c", subcore_axis_name="s",
                               num_cores=1)


@functools.partial(
    pl.kernel,
    out_type=jax.ShapeDtypeStruct((S, D), jnp.float32),
    mesh=_mesh,
    scratch_types=[
        pltpu.VMEM((DBROWS, D), jnp.float32),
        pltpu.VMEM((8, IDROW), jnp.int32),
        pltpu.VMEM_SHARED((S, D), jnp.float32),
    ],
)
def _seg_sum_sc(data_hbm, ids_hbm, zeros_hbm, out_hbm, dbuf, ibuf, acc_sh):
    s = lax.axis_index("s")
    w = s

    pltpu.sync_copy(zeros_hbm, dbuf)
    base = pl.multiple_of(s * SEG_PER_TILE, 8)
    pltpu.sync_copy(dbuf, acc_sh.at[pl.ds(base, DBROWS)])
    pltpu.sync_copy(dbuf, acc_sh.at[pl.ds(base + DBROWS, DBROWS)])
    pltpu.sync_copy(dbuf.at[pl.ds(0, SEG_PER_TILE - 2 * DBROWS)],
                    acc_sh.at[pl.ds(base + 2 * DBROWS,
                                    SEG_PER_TILE - 2 * DBROWS)])

    @pl.when(s == 0)
    def _zero_tail():
        pltpu.sync_copy(dbuf.at[pl.ds(0, SEG_TAIL)],
                        acc_sh.at[pl.ds(16 * SEG_PER_TILE, SEG_TAIL)])

    plsc.subcore_barrier()

    start_unit = w * 20 - jnp.maximum(w - BIGW, 0)
    n_units = 20 - (w >= BIGW).astype(jnp.int32)

    def unit_body(u, carry):
        unit = start_unit + u
        idrow0 = pl.multiple_of(unit * 8, 8)
        pltpu.sync_copy(ids_hbm.at[pl.ds(idrow0, 8)], ibuf)
        for j in range(4):
            row0 = pl.multiple_of(unit * 1024 + j * DBROWS, 8)
            pltpu.sync_copy(data_hbm.at[pl.ds(row0, DBROWS)], dbuf)
            for h in range(2):
                pltpu.sync_copy(dbuf.at[pl.ds(h * IDROW, IDROW)],
                                acc_sh.at[ibuf.at[2 * j + h]], add=True)
        return carry

    lax.fori_loop(0, n_units, unit_body, 0)

    @pl.when(w == NW - 1)
    def _tail():
        pltpu.sync_copy(ids_hbm.at[pl.ds(UNITS * 8, 8)], ibuf)
        for j in range(2):
            row0 = pl.multiple_of(UNITS * 1024 + j * DBROWS, 8)
            pltpu.sync_copy(data_hbm.at[pl.ds(row0, DBROWS)], dbuf)
            for h in range(2):
                pltpu.sync_copy(dbuf.at[pl.ds(h * IDROW, IDROW)],
                                acc_sh.at[ibuf.at[2 * j + h]], add=True)

    plsc.subcore_barrier()

    pltpu.sync_copy(acc_sh.at[pl.ds(base, DBROWS)], dbuf)
    pltpu.sync_copy(dbuf, out_hbm.at[pl.ds(base, DBROWS)])
    pltpu.sync_copy(acc_sh.at[pl.ds(base + DBROWS, DBROWS)], dbuf)
    pltpu.sync_copy(dbuf, out_hbm.at[pl.ds(base + DBROWS, DBROWS)])
    pltpu.sync_copy(acc_sh.at[pl.ds(base + 2 * DBROWS,
                                    SEG_PER_TILE - 2 * DBROWS)],
                    dbuf.at[pl.ds(0, SEG_PER_TILE - 2 * DBROWS)])
    pltpu.sync_copy(dbuf.at[pl.ds(0, SEG_PER_TILE - 2 * DBROWS)],
                    out_hbm.at[pl.ds(base + 2 * DBROWS,
                                     SEG_PER_TILE - 2 * DBROWS)])

    @pl.when(s == 0)
    def _write_tail():
        pltpu.sync_copy(acc_sh.at[pl.ds(16 * SEG_PER_TILE, SEG_TAIL)],
                        dbuf.at[pl.ds(0, SEG_TAIL)])
        pltpu.sync_copy(dbuf.at[pl.ds(0, SEG_TAIL)],
                        out_hbm.at[pl.ds(16 * SEG_PER_TILE, SEG_TAIL)])


def kernel(data, segment_ids):
    ids2d = segment_ids.astype(jnp.int32).reshape(IDROWS, IDROW)
    ids2d = jnp.pad(ids2d, ((0, IDROWS_PAD - IDROWS), (0, 0)))
    zeros = jnp.zeros((DBROWS, D), jnp.float32)
    return _seg_sum_sc(data, ids2d, zeros)

# --- scband reference (transcript-rebuilt; emitter-appended) ---
"""Pipeline reference for scband-tensor-board-4423816315110 (READ-ONLY COPY).

The authoritative reference and input builder live on the scoring server;
editing this copy changes nothing except your own understanding.
"""

import jax, jax.numpy as jnp
import numpy as np

N = 320000
D = 128
NUM_SEGMENTS = 10000


def setup_inputs(seed: int = 0) -> dict:
    key = jax.random.key(seed)
    k1, k2 = jax.random.split(key)
    data = jax.random.normal(k1, (N, D), dtype=jnp.float32)
    segment_ids = jnp.sort(jax.random.randint(k2, (N,), 0, NUM_SEGMENTS))
    return {"data": data, "segment_ids": segment_ids}


def reference(data, segment_ids):
    # Core kernel of TensorBoard._filter_super_ko_vectorized:
    # per-stone deltas are reduced per-group using a CSR prefix-scan
    # (prefix[end] ^ prefix[start]) over sorted group ids. We mirror that
    # as a segment reduction over sorted segment_ids: an inclusive prefix
    # scan over the flat per-element data followed by CSR start/end
    # pointer gathers, which is mathematically a per-segment sum.
    counts = jnp.bincount(segment_ids, length=NUM_SEGMENTS)
    ptr = jnp.concatenate([jnp.zeros((1,), counts.dtype), jnp.cumsum(counts)])
    prefix = jnp.cumsum(data, axis=0)
    prefix = jnp.concatenate([jnp.zeros((1, D), data.dtype), prefix], axis=0)
    start_val = prefix[ptr[:-1]]
    end_val = prefix[ptr[1:]]
    group_reduced = end_val - start_val  # [NUM_SEGMENTS, D]
    return group_reduced

if __name__ == "__main__":
    import jax
    _d = setup_inputs()
    print(jax.jit(kernel)(*tuple(_d.values())))

</pallas_src>

<mosaic_0001>
#map = affine_map<(d0, d1) -> (0, 0)>
module attributes {stable_mosaic.version = 14 : i64} {
  func.func @_seg_sum_sc(%arg0: i32, %arg1: i32, %arg2: memref<320000x128xf32, #tpu.memory_space<hbm>>, %arg3: memref<2504x128xi32, #tpu.memory_space<hbm>>, %arg4: memref<256x128xf32, #tpu.memory_space<hbm>>, %arg5: memref<10000x128xf32, #tpu.memory_space<hbm>>, %arg6: memref<256x128xf32, #tpu.memory_space<vmem>>, %arg7: memref<8x128xi32, #tpu.memory_space<vmem>>, %arg8: memref<10000x128xf32, #tpu.memory_space<vmem_shared>>) attributes {dimension_semantics = [#tpu.dimension_semantics<core_parallel>, #tpu.dimension_semantics<subcore_parallel>], iteration_bounds = array<i64: 1, 16>, scalar_prefetch = 0 : i64, scratch_operands = 3 : i64, tpu.core_type = #tpu.core_type<sc_vector_subcore>, window_params = [{transform_indices = #map}, {transform_indices = #map}, {transform_indices = #map}, {transform_indices = #map}]} {
    "tpu.region"() ({
      %run_scoped3A = tpu.sem_alloc : memref<!tpu.dma_semaphore, #tpu.memory_space<semaphore_mem>>
      tpu.enqueue_dma source(%arg4 : memref<256x128xf32, #tpu.memory_space<hbm>>) target(%arg6 : memref<256x128xf32, #tpu.memory_space<vmem>>) target_semaphore(%run_scoped3A : memref<!tpu.dma_semaphore, #tpu.memory_space<semaphore_mem>>)
      tpu.wait_dma2 semaphore(%run_scoped3A : memref<!tpu.dma_semaphore, #tpu.memory_space<semaphore_mem>>) src(%arg4 : memref<256x128xf32, #tpu.memory_space<hbm>>) dst(%arg6 : memref<256x128xf32, #tpu.memory_space<vmem>>)
      tpu.yield
    }) : () -> ()
    %mul3A = arith.constant 624 : i32
    %mul3A_0 = arith.muli %arg1, %mul3A : i32
    %multiple_of3A = tpu.assume_multiple %mul3A_0, 8 : i32
    "tpu.region"() ({
      %run_scoped3A = tpu.sem_alloc : memref<!tpu.dma_semaphore, #tpu.memory_space<semaphore_mem>>
      %dma_start3A = arith.constant 0 : i32
      %dma_start3A_43 = tpu.memref_slice %arg8[%multiple_of3A, %dma_start3A] : memref<10000x128xf32, #tpu.memory_space<vmem_shared>> -> memref<256x128xf32, #tpu.memory_space<vmem_shared>>
      %dma_start3A_44 = arith.constant 0 : i32
      %dma_start3A_45 = tpu.memref_slice %arg8[%multiple_of3A, %dma_start3A_44] : memref<10000x128xf32, #tpu.memory_space<vmem_shared>> -> memref<256x128xf32, #tpu.memory_space<vmem_shared>>
      tpu.enqueue_dma source(%arg6 : memref<256x128xf32, #tpu.memory_space<vmem>>) target(%dma_start3A_45 : memref<256x128xf32, #tpu.memory_space<vmem_shared>>) target_semaphore(%run_scoped3A : memref<!tpu.dma_semaphore, #tpu.memory_space<semaphore_mem>>)
      %dma_wait3A = arith.constant 0 : i32
      %dma_wait3A_46 = tpu.memref_slice %arg8[%multiple_of3A, %dma_wait3A] : memref<10000x128xf32, #tpu.memory_space<vmem_shared>> -> memref<256x128xf32, #tpu.memory_space<vmem_shared>>
      %dma_wait3A_47 = arith.constant 0 : i32
      %dma_wait3A_48 = tpu.memref_slice %arg8[%multiple_of3A, %dma_wait3A_47] : memref<10000x128xf32, #tpu.memory_space<vmem_shared>> -> memref<256x128xf32, #tpu.memory_space<vmem_shared>>
      tpu.wait_dma2 semaphore(%run_scoped3A : memref<!tpu.dma_semaphore, #tpu.memory_space<semaphore_mem>>) src(%arg6 : memref<256x128xf32, #tpu.memory_space<vmem>>) dst(%dma_wait3A_48 : memref<256x128xf32, #tpu.memory_space<vmem_shared>>)
      tpu.yield
    }) : () -> ()
    %add3A = arith.constant 256 : i32
    %add3A_1 = arith.addi %multiple_of3A, %add3A : i32
    "tpu.region"() ({
      %run_scoped3A = tpu.sem_alloc : memref<!tpu.dma_semaphore, #tpu.memory_space<semaphore_mem>>
      %dma_start3A = arith.constant 0 : i32
      %dma_start3A_43 = tpu.memref_slice %arg8[%add3A_1, %dma_start3A] : memref<10000x128xf32, #tpu.memory_space<vmem_shared>> -> memref<256x128xf32, #tpu.memory_space<vmem_shared>>
      %dma_start3A_44 = arith.constant 0 : i32
      %dma_start3A_45 = tpu.memref_slice %arg8[%add3A_1, %dma_start3A_44] : memref<10000x128xf32, #tpu.memory_space<vmem_shared>> -> memref<256x128xf32, #tpu.memory_space<vmem_shared>>
      tpu.enqueue_dma source(%arg6 : memref<256x128xf32, #tpu.memory_space<vmem>>) target(%dma_start3A_45 : memref<256x128xf32, #tpu.memory_space<vmem_shared>>) target_semaphore(%run_scoped3A : memref<!tpu.dma_semaphore, #tpu.memory_space<semaphore_mem>>)
      %dma_wait3A = arith.constant 0 : i32
      %dma_wait3A_46 = tpu.memref_slice %arg8[%add3A_1, %dma_wait3A] : memref<10000x128xf32, #tpu.memory_space<vmem_shared>> -> memref<256x128xf32, #tpu.memory_space<vmem_shared>>
      %dma_wait3A_47 = arith.constant 0 : i32
      %dma_wait3A_48 = tpu.memref_slice %arg8[%add3A_1, %dma_wait3A_47] : memref<10000x128xf32, #tpu.memory_space<vmem_shared>> -> memref<256x128xf32, #tpu.memory_space<vmem_shared>>
      tpu.wait_dma2 semaphore(%run_scoped3A : memref<!tpu.dma_semaphore, #tpu.memory_space<semaphore_mem>>) src(%arg6 : memref<256x128xf32, #tpu.memory_space<vmem>>) dst(%dma_wait3A_48 : memref<256x128xf32, #tpu.memory_space<vmem_shared>>)
      tpu.yield
    }) : () -> ()
    %add3A_2 = arith.constant 512 : i32
    %add3A_3 = arith.addi %multiple_of3A, %add3A_2 : i32
    "tpu.region"() ({
      %run_scoped3A = tpu.sem_alloc : memref<!tpu.dma_semaphore, #tpu.memory_space<semaphore_mem>>
      %dma_start3A = arith.constant 0 : i32
      %dma_start3A_43 = arith.constant 0 : i32
      %dma_start3A_44 = tpu.memref_slice %arg6[%dma_start3A, %dma_start3A_43] : memref<256x128xf32, #tpu.memory_space<vmem>> -> memref<112x128xf32, #tpu.memory_space<vmem>>
      %dma_start3A_45 = arith.constant 0 : i32
      %dma_start3A_46 = tpu.memref_slice %arg8[%add3A_3, %dma_start3A_45] : memref<10000x128xf32, #tpu.memory_space<vmem_shared>> -> memref<112x128xf32, #tpu.memory_space<vmem_shared>>
      %dma_start3A_47 = arith.constant 0 : i32
      %dma_start3A_48 = tpu.memref_slice %arg8[%add3A_3, %dma_start3A_47] : memref<10000x128xf32, #tpu.memory_space<vmem_shared>> -> memref<112x128xf32, #tpu.memory_space<vmem_shared>>
      %dma_start3A_49 = arith.constant 0 : i32
      %dma_start3A_50 = arith.constant 0 : i32
      %dma_start3A_51 = tpu.memref_slice %arg6[%dma_start3A_49, %dma_start3A_50] : memref<256x128xf32, #tpu.memory_space<vmem>> -> memref<112x128xf32, #tpu.memory_space<vmem>>
      tpu.enqueue_dma source(%dma_start3A_51 : memref<112x128xf32, #tpu.memory_space<vmem>>) target(%dma_start3A_48 : memref<112x128xf32, #tpu.memory_space<vmem_shared>>) target_semaphore(%run_scoped3A : memref<!tpu.dma_semaphore, #tpu.memory_space<semaphore_mem>>)
      %dma_wait3A = arith.constant 0 : i32
      %dma_wait3A_52 = arith.constant 0 : i32
      %dma_wait3A_53 = tpu.memref_slice %arg6[%dma_wait3A, %dma_wait3A_52] : memref<256x128xf32, #tpu.memory_space<vmem>> -> memref<112x128xf32, #tpu.memory_space<vmem>>
      %dma_wait3A_54 = arith.constant 0 : i32
      %dma_wait3A_55 = tpu.memref_slice %arg8[%add3A_3, %dma_wait3A_54] : memref<10000x128xf32, #tpu.memory_space<vmem_shared>> -> memref<112x128xf32, #tpu.memory_space<vmem_shared>>
      %dma_wait3A_56 = arith.constant 0 : i32
      %dma_wait3A_57 = tpu.memref_slice %arg8[%add3A_3, %dma_wait3A_56] : memref<10000x128xf32, #tpu.memory_space<vmem_shared>> -> memref<112x128xf32, #tpu.memory_space<vmem_shared>>
      %dma_wait3A_58 = arith.constant 0 : i32
      %dma_wait3A_59 = arith.constant 0 : i32
      %dma_wait3A_60 = tpu.memref_slice %arg6[%dma_wait3A_58, %dma_wait3A_59] : memref<256x128xf32, #tpu.memory_space<vmem>> -> memref<112x128xf32, #tpu.memory_space<vmem>>
      tpu.wait_dma2 semaphore(%run_scoped3A : memref<!tpu.dma_semaphore, #tpu.memory_space<semaphore_mem>>) src(%dma_wait3A_60 : memref<112x128xf32, #tpu.memory_space<vmem>>) dst(%dma_wait3A_57 : memref<112x128xf32, #tpu.memory_space<vmem_shared>>)
      tpu.yield
    }) : () -> ()
    %eq3A = arith.constant 0 : i32
    %eq3A_4 = arith.cmpi eq, %arg1, %eq3A : i32
    %convert_element_type3A = arith.extui %eq3A_4 : i1 to i32
    %cond3A = arith.constant 0 : i32
    %cond3A_5 = arith.cmpi ne, %convert_element_type3A, %cond3A : i32
    scf.if %cond3A_5 {
      "tpu.region"() ({
        %run_scoped3A = tpu.sem_alloc : memref<!tpu.dma_semaphore, #tpu.memory_space<semaphore_mem>>
        %dma_start3A = arith.constant 0 : i32
        %dma_start3A_43 = arith.constant 0 : i32
        %dma_start3A_44 = tpu.memref_slice %arg6[%dma_start3A, %dma_start3A_43] : memref<256x128xf32, #tpu.memory_space<vmem>> -> memref<16x128xf32, #tpu.memory_space<vmem>>
        %dma_start3A_45 = arith.constant 9984 : i32
        %dma_start3A_46 = arith.constant 0 : i32
        %dma_start3A_47 = tpu.memref_slice %arg8[%dma_start3A_45, %dma_start3A_46] : memref<10000x128xf32, #tpu.memory_space<vmem_shared>> -> memref<16x128xf32, #tpu.memory_space<vmem_shared>>
        %dma_start3A_48 = arith.constant 9984 : i32
        %dma_start3A_49 = arith.constant 0 : i32
        %dma_start3A_50 = tpu.memref_slice %arg8[%dma_start3A_48, %dma_start3A_49] : memref<10000x128xf32, #tpu.memory_space<vmem_shared>> -> memref<16x128xf32, #tpu.memory_space<vmem_shared>>
        %dma_start3A_51 = arith.constant 0 : i32
        %dma_start3A_52 = arith.constant 0 : i32
        %dma_start3A_53 = tpu.memref_slice %arg6[%dma_start3A_51, %dma_start3A_52] : memref<256x128xf32, #tpu.memory_space<vmem>> -> memref<16x128xf32, #tpu.memory_space<vmem>>
        tpu.enqueue_dma source(%dma_start3A_53 : memref<16x128xf32, #tpu.memory_space<vmem>>) target(%dma_start3A_50 : memref<16x128xf32, #tpu.memory_space<vmem_shared>>) target_semaphore(%run_scoped3A : memref<!tpu.dma_semaphore, #tpu.memory_space<semaphore_mem>>)
        %dma_wait3A = arith.constant 0 : i32
        %dma_wait3A_54 = arith.constant 0 : i32
        %dma_wait3A_55 = tpu.memref_slice %arg6[%dma_wait3A, %dma_wait3A_54] : memref<256x128xf32, #tpu.memory_space<vmem>> -> memref<16x128xf32, #tpu.memory_space<vmem>>
        %dma_wait3A_56 = arith.constant 9984 : i32
        %dma_wait3A_57 = arith.constant 0 : i32
        %dma_wait3A_58 = tpu.memref_slice %arg8[%dma_wait3A_56, %dma_wait3A_57] : memref<10000x128xf32, #tpu.memory_space<vmem_shared>> -> memref<16x128xf32, #tpu.memory_space<vmem_shared>>
        %dma_wait3A_59 = arith.constant 9984 : i32
        %dma_wait3A_60 = arith.constant 0 : i32
        %dma_wait3A_61 = tpu.memref_slice %arg8[%dma_wait3A_59, %dma_wait3A_60] : memref<10000x128xf32, #tpu.memory_space<vmem_shared>> -> memref<16x128xf32, #tpu.memory_space<vmem_shared>>
        %dma_wait3A_62 = arith.constant 0 : i32
        %dma_wait3A_63 = arith.constant 0 : i32
        %dma_wait3A_64 = tpu.memref_slice %arg6[%dma_wait3A_62, %dma_wait3A_63] : memref<256x128xf32, #tpu.memory_space<vmem>> -> memref<16x128xf32, #tpu.memory_space<vmem>>
        tpu.wait_dma2 semaphore(%run_scoped3A : memref<!tpu.dma_semaphore, #tpu.memory_space<semaphore_mem>>) src(%dma_wait3A_64 : memref<16x128xf32, #tpu.memory_space<vmem>>) dst(%dma_wait3A_61 : memref<16x128xf32, #tpu.memory_space<vmem_shared>>)
        tpu.yield
      }) : () -> ()
    } else {
    }
    %barrier3A = arith.constant 0 : index
    tpu.barrier barrier_id(%barrier3A)
    %mul3A_6 = arith.constant 20 : i32
    %mul3A_7 = arith.muli %arg1, %mul3A_6 : i32
    %sub3A = arith.constant 8 : i32
    %sub3A_8 = arith.subi %arg1, %sub3A : i32
    %max3A = arith.constant 0 : i32
    %max3A_9 = arith.maxsi %sub3A_8, %max3A : i32
    %sub3A_10 = arith.subi %mul3A_7, %max3A_9 : i32
    %ge3A = arith.constant 8 : i32
    %ge3A_11 = arith.cmpi sge, %arg1, %ge3A : i32
    %convert_element_type3A_12 = arith.extui %ge3A_11 : i1 to i32
    %sub3A_13 = arith.constant 20 : i32
    %sub3A_14 = arith.subi %sub3A_13, %convert_element_type3A_12 : i32
    %while3A = arith.constant 0 : i32
    %while3A_15 = arith.constant 0 : i32
    %while3A_16 = arith.subi %sub3A_14, %while3A_15 : i32
    %while3A_17 = arith.addi %while3A_15, %while3A_16 : i32
    %while3A_18 = arith.constant 1 : i32
    %while3A_19 = arith.divsi %while3A_16, %while3A_18 : i32
    %while3A_20 = arith.muli %while3A_19, %while3A_18 : i32
    %while3A_21 = arith.addi %while3A_15, %while3A_20 : i32
    %while3A_22 = arith.constant 1 : i32
    scf.for %while3A_43 = %while3A_15 to %while3A_21 step %while3A_22  : i32 {
      %add3A_44 = arith.addi %sub3A_10, %while3A_43 : i32
      %mul3A_45 = arith.constant 8 : i32
      %mul3A_46 = arith.muli %add3A_44, %mul3A_45 : i32
      %multiple_of3A_47 = tpu.assume_multiple %mul3A_46, 8 : i32
      "tpu.region"() ({
        %run_scoped3A_75 = tpu.sem_alloc : memref<!tpu.dma_semaphore, #tpu.memory_space<semaphore_mem>>
        %dma_start3A = arith.constant 0 : i32
        %dma_start3A_76 = tpu.memref_slice %arg3[%multiple_of3A_47, %dma_start3A] : memref<2504x128xi32, #tpu.memory_space<hbm>> -> memref<8x128xi32, #tpu.memory_space<hbm>>
        %dma_start3A_77 = arith.constant 0 : i32
        %dma_start3A_78 = tpu.memref_slice %arg3[%multiple_of3A_47, %dma_start3A_77] : memref<2504x128xi32, #tpu.memory_space<hbm>> -> memref<8x128xi32, #tpu.memory_space<hbm>>
        tpu.enqueue_dma source(%dma_start3A_78 : memref<8x128xi32, #tpu.memory_space<hbm>>) target(%arg7 : memref<8x128xi32, #tpu.memory_space<vmem>>) target_semaphore(%run_scoped3A_75 : memref<!tpu.dma_semaphore, #tpu.memory_space<semaphore_mem>>)
        %dma_wait3A = arith.constant 0 : i32
        %dma_wait3A_79 = tpu.memref_slice %arg3[%multiple_of3A_47, %dma_wait3A] : memref<2504x128xi32, #tpu.memory_space<hbm>> -> memref<8x128xi32, #tpu.memory_space<hbm>>
        %dma_wait3A_80 = arith.constant 0 : i32
        %dma_wait3A_81 = tpu.memref_slice %arg3[%multiple_of3A_47, %dma_wait3A_80] : memref<2504x128xi32, #tpu.memory_space<hbm>> -> memref<8x128xi32, #tpu.memory_space<hbm>>
        tpu.wait_dma2 semaphore(%run_scoped3A_75 : memref<!tpu.dma_semaphore, #tpu.memory_space<semaphore_mem>>) src(%dma_wait3A_81 : memref<8x128xi32, #tpu.memory_space<hbm>>) dst(%arg7 : memref<8x128xi32, #tpu.memory_space<vmem>>)
        tpu.yield
      }) : () -> ()
      %mul3A_48 = arith.constant 1024 : i32
      %mul3A_49 = arith.muli %add3A_44, %mul3A_48 : i32
      %add3A_50 = arith.constant 0 : i32
      %add3A_51 = arith.addi %mul3A_49, %add3A_50 : i32
      %multiple_of3A_52 = tpu.assume_multiple %add3A_51, 8 : i32
      "tpu.region"() ({
        %run_scoped3A_75 = tpu.sem_alloc : memref<!tpu.dma_semaphore, #tpu.memory_space<semaphore_mem>>
        %dma_start3A = arith.constant 0 : i32
        %dma_start3A_76 = tpu.memref_slice %arg2[%multiple_of3A_52, %dma_start3A] : memref<320000x128xf32, #tpu.memory_space<hbm>> -> memref<256x128xf32, #tpu.memory_space<hbm>>
        %dma_start3A_77 = arith.constant 0 : i32
        %dma_start3A_78 = tpu.memref_slice %arg2[%multiple_of3A_52, %dma_start3A_77] : memref<320000x128xf32, #tpu.memory_space<hbm>> -> memref<256x128xf32, #tpu.memory_space<hbm>>
        tpu.enqueue_dma source(%dma_start3A_78 : memref<256x128xf32, #tpu.memory_space<hbm>>) target(%arg6 : memref<256x128xf32, #tpu.memory_space<vmem>>) target_semaphore(%run_scoped3A_75 : memref<!tpu.dma_semaphore, #tpu.memory_space<semaphore_mem>>)
        %dma_wait3A = arith.constant 0 : i32
        %dma_wait3A_79 = tpu.memref_slice %arg2[%multiple_of3A_52, %dma_wait3A] : memref<320000x128xf32, #tpu.memory_space<hbm>> -> memref<256x128xf32, #tpu.memory_space<hbm>>
        %dma_wait3A_80 = arith.constant 0 : i32
        %dma_wait3A_81 = tpu.memref_slice %arg2[%multiple_of3A_52, %dma_wait3A_80] : memref<320000x128xf32, #tpu.memory_space<hbm>> -> memref<256x128xf32, #tpu.memory_space<hbm>>
        tpu.wait_dma2 semaphore(%run_scoped3A_75 : memref<!tpu.dma_semaphore, #tpu.memory_space<semaphore_mem>>) src(%dma_wait3A_81 : memref<256x128xf32, #tpu.memory_space<hbm>>) dst(%arg6 : memref<256x128xf32, #tpu.memory_space<vmem>>)
        tpu.yield
      }) : () -> ()
      %run_scoped3A = arith.constant 0 : i32
      "tpu.region"() ({
        %run_scoped3A_75 = tpu.sem_alloc : memref<!tpu.dma_semaphore, #tpu.memory_space<semaphore_mem>>
        %dma_start3A = arith.constant 0 : i32
        %dma_start3A_76 = arith.constant 0 : i32
        %dma_start3A_77 = tpu.memref_slice %arg6[%dma_start3A, %dma_start3A_76] : memref<256x128xf32, #tpu.memory_space<vmem>> -> memref<128x128xf32, #tpu.memory_space<vmem>>
        %dma_start3A_78 = arith.constant 0 : i32
        %dma_start3A_79 = tpu.memref_slice %arg7[%run_scoped3A, %dma_start3A_78] : memref<8x128xi32, #tpu.memory_space<vmem>> -> memref<1x128xi32, #tpu.memory_space<vmem>>
        %dma_start3A_80 = tpu.memref_squeeze %dma_start3A_79 : memref<1x128xi32, #tpu.memory_space<vmem>> -> memref<128xi32, #tpu.memory_space<vmem>>
        %dma_start3A_81 = arith.constant 0 : i32
        %dma_start3A_82 = arith.constant 0 : i32
        %dma_start3A_83 = tpu.memref_slice %arg8[%dma_start3A_81, %dma_start3A_82] : memref<10000x128xf32, #tpu.memory_space<vmem_shared>> -> memref<10000x128xf32, #tpu.memory_space<vmem_shared>>
        tpu.enqueue_indirect_dma source(%dma_start3A_77 : memref<128x128xf32, #tpu.memory_space<vmem>>) target(%dma_start3A_83 : memref<10000x128xf32, #tpu.memory_space<vmem_shared>>) offsets(%dma_start3A_80 : memref<128xi32, #tpu.memory_space<vmem>>) semaphore(%run_scoped3A_75 : memref<!tpu.dma_semaphore, #tpu.memory_space<semaphore_mem>>) {add = true}
        %dma_wait3A = arith.constant 0 : i32
        %dma_wait3A_84 = arith.constant 0 : i32
        %dma_wait3A_85 = tpu.memref_slice %arg6[%dma_wait3A, %dma_wait3A_84] : memref<256x128xf32, #tpu.memory_space<vmem>> -> memref<128x128xf32, #tpu.memory_space<vmem>>
        %dma_wait3A_86 = arith.constant 0 : i32
        %dma_wait3A_87 = tpu.memref_slice %arg7[%run_scoped3A, %dma_wait3A_86] : memref<8x128xi32, #tpu.memory_space<vmem>> -> memref<1x128xi32, #tpu.memory_space<vmem>>
        %dma_wait3A_88 = tpu.memref_squeeze %dma_wait3A_87 : memref<1x128xi32, #tpu.memory_space<vmem>> -> memref<128xi32, #tpu.memory_space<vmem>>
        %dma_wait3A_89 = arith.constant 0 : i32
        %dma_wait3A_90 = arith.constant 0 : i32
        %dma_wait3A_91 = tpu.memref_slice %arg8[%dma_wait3A_89, %dma_wait3A_90] : memref<10000x128xf32, #tpu.memory_space<vmem_shared>> -> memref<10000x128xf32, #tpu.memory_space<vmem_shared>>
        tpu.wait_indirect_dma semaphore(%run_scoped3A_75 : memref<!tpu.dma_semaphore, #tpu.memory_space<semaphore_mem>>) src(%dma_wait3A_85 : memref<128x128xf32, #tpu.memory_space<vmem>>) dst(%dma_wait3A_91 : memref<10000x128xf32, #tpu.memory_space<vmem_shared>>)
        tpu.yield
      }) : () -> ()
      %run_scoped3A_53 = arith.constant 1 : i32
      "tpu.region"() ({
        %run_scoped3A_75 = tpu.sem_alloc : memref<!tpu.dma_semaphore, #tpu.memory_space<semaphore_mem>>
        %dma_start3A = arith.constant 128 : i32
        %dma_start3A_76 = arith.constant 0 : i32
        %dma_start3A_77 = tpu.memref_slice %arg6[%dma_start3A, %dma_start3A_76] : memref<256x128xf32, #tpu.memory_space<vmem>> -> memref<128x128xf32, #tpu.memory_space<vmem>>
        %dma_start3A_78 = arith.constant 0 : i32
        %dma_start3A_79 = tpu.memref_slice %arg7[%run_scoped3A_53, %dma_start3A_78] : memref<8x128xi32, #tpu.memory_space<vmem>> -> memref<1x128xi32, #tpu.memory_space<vmem>>
        %dma_start3A_80 = tpu.memref_squeeze %dma_start3A_79 : memref<1x128xi32, #tpu.memory_space<vmem>> -> memref<128xi32, #tpu.memory_space<vmem>>
        %dma_start3A_81 = arith.constant 0 : i32
        %dma_start3A_82 = arith.constant 0 : i32
        %dma_start3A_83 = tpu.memref_slice %arg8[%dma_start3A_81, %dma_start3A_82] : memref<10000x128xf32, #tpu.memory_space<vmem_shared>> -> memref<10000x128xf32, #tpu.memory_space<vmem_shared>>
        tpu.enqueue_indirect_dma source(%dma_start3A_77 : memref<128x128xf32, #tpu.memory_space<vmem>>) target(%dma_start3A_83 : memref<10000x128xf32, #tpu.memory_space<vmem_shared>>) offsets(%dma_start3A_80 : memref<128xi32, #tpu.memory_space<vmem>>) semaphore(%run_scoped3A_75 : memref<!tpu.dma_semaphore, #tpu.memory_space<semaphore_mem>>) {add = true}
        %dma_wait3A = arith.constant 128 : i32
        %dma_wait3A_84 = arith.constant 0 : i32
        %dma_wait3A_85 = tpu.memref_slice %arg6[%dma_wait3A, %dma_wait3A_84] : memref<256x128xf32, #tpu.memory_space<vmem>> -> memref<128x128xf32, #tpu.memory_space<vmem>>
        %dma_wait3A_86 = arith.constant 0 : i32
        %dma_wait3A_87 = tpu.memref_slice %arg7[%run_scoped3A_53, %dma_wait3A_86] : memref<8x128xi32, #tpu.memory_space<vmem>> -> memref<1x128xi32, #tpu.memory_space<vmem>>
        %dma_wait3A_88 = tpu.memref_squeeze %dma_wait3A_87 : memref<1x128xi32, #tpu.memory_space<vmem>> -> memref<128xi32, #tpu.memory_space<vmem>>
        %dma_wait3A_89 = arith.constant 0 : i32
        %dma_wait3A_90 = arith.constant 0 : i32
        %dma_wait3A_91 = tpu.memref_slice %arg8[%dma_wait3A_89, %dma_wait3A_90] : memref<10000x128xf32, #tpu.memory_space<vmem_shared>> -> memref<10000x128xf32, #tpu.memory_space<vmem_shared>>
        tpu.wait_indirect_dma semaphore(%run_scoped3A_75 : memref<!tpu.dma_semaphore, #tpu.memory_space<semaphore_mem>>) src(%dma_wait3A_85 : memref<128x128xf32, #tpu.memory_space<vmem>>) dst(%dma_wait3A_91 : memref<10000x128xf32, #tpu.memory_space<vmem_shared>>)
        tpu.yield
      }) : () -> ()
      %mul3A_54 = arith.constant 1024 : i32
      %mul3A_55 = arith.muli %add3A_44, %mul3A_54 : i32
      %add3A_56 = arith.constant 256 : i32
      %add3A_57 = arith.addi %mul3A_55, %add3A_56 : i32
      %multiple_of3A_58 = tpu.assume_multiple %add3A_57, 8 : i32
      "tpu.region"() ({
        %run_scoped3A_75 = tpu.sem_alloc : memref<!tpu.dma_semaphore, #tpu.memory_space<semaphore_mem>>
        %dma_start3A = arith.constant 0 : i32
        %dma_start3A_76 = tpu.memref_slice %arg2[%multiple_of3A_58, %dma_start3A] : memref<320000x128xf32, #tpu.memory_space<hbm>> -> memref<256x128xf32, #tpu.memory_space<hbm>>
        %dma_start3A_77 = arith.constant 0 : i32
        %dma_start3A_78 = tpu.memref_slice %arg2[%multiple_of3A_58, %dma_start3A_77] : memref<320000x128xf32, #tpu.memory_space<hbm>> -> memref<256x128xf32, #tpu.memory_space<hbm>>
        tpu.enqueue_dma source(%dma_start3A_78 : memref<256x128xf32, #tpu.memory_space<hbm>>) target(%arg6 : memref<256x128xf32, #tpu.memory_space<vmem>>) target_semaphore(%run_scoped3A_75 : memref<!tpu.dma_semaphore, #tpu.memory_space<semaphore_mem>>)
        %dma_wait3A = arith.constant 0 : i32
        %dma_wait3A_79 = tpu.memref_slice %arg2[%multiple_of3A_58, %dma_wait3A] : memref<320000x128xf32, #tpu.memory_space<hbm>> -> memref<256x128xf32, #tpu.memory_space<hbm>>
        %dma_wait3A_80 = arith.constant 0 : i32
        %dma_wait3A_81 = tpu.memref_slice %arg2[%multiple_of3A_58, %dma_wait3A_80] : memref<320000x128xf32, #tpu.memory_space<hbm>> -> memref<256x128xf32, #tpu.memory_space<hbm>>
        tpu.wait_dma2 semaphore(%run_scoped3A_75 : memref<!tpu.dma_semaphore, #tpu.memory_space<semaphore_mem>>) src(%dma_wait3A_81 : memref<256x128xf32, #tpu.memory_space<hbm>>) dst(%arg6 : memref<256x128xf32, #tpu.memory_space<vmem>>)
        tpu.yield
      }) : () -> ()
      %run_scoped3A_59 = arith.constant 2 : i32
      "tpu.region"() ({
        %run_scoped3A_75 = tpu.sem_alloc : memref<!tpu.dma_semaphore, #tpu.memory_space<semaphore_mem>>
        %dma_start3A = arith.constant 0 : i32
        %dma_start3A_76 = arith.constant 0 : i32
        %dma_start3A_77 = tpu.memref_slice %arg6[%dma_start3A, %dma_start3A_76] : memref<256x128xf32, #tpu.memory_space<vmem>> -> memref<128x128xf32, #tpu.memory_space<vmem>>
        %dma_start3A_78 = arith.constant 0 : i32
        %dma_start3A_79 = tpu.memref_slice %arg7[%run_scoped3A_59, %dma_start3A_78] : memref<8x128xi32, #tpu.memory_space<vmem>> -> memref<1x128xi32, #tpu.memory_space<vmem>>
        %dma_start3A_80 = tpu.memref_squeeze %dma_start3A_79 : memref<1x128xi32, #tpu.memory_space<vmem>> -> memref<128xi32, #tpu.memory_space<vmem>>
        %dma_start3A_81 = arith.constant 0 : i32
        %dma_start3A_82 = arith.constant 0 : i32
        %dma_start3A_83 = tpu.memref_slice %arg8[%dma_start3A_81, %dma_start3A_82] : memref<10000x128xf32, #tpu.memory_space<vmem_shared>> -> memref<10000x128xf32, #tpu.memory_space<vmem_shared>>
        tpu.enqueue_indirect_dma source(%dma_start3A_77 : memref<128x128xf32, #tpu.memory_space<vmem>>) target(%dma_start3A_83 : memref<10000x128xf32, #tpu.memory_space<vmem_shared>>) offsets(%dma_start3A_80 : memref<128xi32, #tpu.memory_space<vmem>>) semaphore(%run_scoped3A_75 : memref<!tpu.dma_semaphore, #tpu.memory_space<semaphore_mem>>) {add = true}
        %dma_wait3A = arith.constant 0 : i32
        %dma_wait3A_84 = arith.constant 0 : i32
        %dma_wait3A_85 = tpu.memref_slice %arg6[%dma_wait3A, %dma_wait3A_84] : memref<256x128xf32, #tpu.memory_space<vmem>> -> memref<128x128xf32, #tpu.memory_space<vmem>>
        %dma_wait3A_86 = arith.constant 0 : i32
        %dma_wait3A_87 = tpu.memref_slice %arg7[%run_scoped3A_59, %dma_wait3A_86] : memref<8x128xi32, #tpu.memory_space<vmem>> -> memref<1x128xi32, #tpu.memory_space<vmem>>
        %dma_wait3A_88 = tpu.memref_squeeze %dma_wait3A_87 : memref<1x128xi32, #tpu.memory_space<vmem>> -> memref<128xi32, #tpu.memory_space<vmem>>
        %dma_wait3A_89 = arith.constant 0 : i32
        %dma_wait3A_90 = arith.constant 0 : i32
        %dma_wait3A_91 = tpu.memref_slice %arg8[%dma_wait3A_89, %dma_wait3A_90] : memref<10000x128xf32, #tpu.memory_space<vmem_shared>> -> memref<10000x128xf32, #tpu.memory_space<vmem_shared>>
        tpu.wait_indirect_dma semaphore(%run_scoped3A_75 : memref<!tpu.dma_semaphore, #tpu.memory_space<semaphore_mem>>) src(%dma_wait3A_85 : memref<128x128xf32, #tpu.memory_space<vmem>>) dst(%dma_wait3A_91 : memref<10000x128xf32, #tpu.memory_space<vmem_shared>>)
        tpu.yield
      }) : () -> ()
      %run_scoped3A_60 = arith.constant 3 : i32
      "tpu.region"() ({
        %run_scoped3A_75 = tpu.sem_alloc : memref<!tpu.dma_semaphore, #tpu.memory_space<semaphore_mem>>
        %dma_start3A = arith.constant 128 : i32
        %dma_start3A_76 = arith.constant 0 : i32
        %dma_start3A_77 = tpu.memref_slice %arg6[%dma_start3A, %dma_start3A_76] : memref<256x128xf32, #tpu.memory_space<vmem>> -> memref<128x128xf32, #tpu.memory_space<vmem>>
        %dma_start3A_78 = arith.constant 0 : i32
        %dma_start3A_79 = tpu.memref_slice %arg7[%run_scoped3A_60, %dma_start3A_78] : memref<8x128xi32, #tpu.memory_space<vmem>> -> memref<1x128xi32, #tpu.memory_space<vmem>>
        %dma_start3A_80 = tpu.memref_squeeze %dma_start3A_79 : memref<1x128xi32, #tpu.memory_space<vmem>> -> memref<128xi32, #tpu.memory_space<vmem>>
        %dma_start3A_81 = arith.constant 0 : i32
        %dma_start3A_82 = arith.constant 0 : i32
        %dma_start3A_83 = tpu.memref_slice %arg8[%dma_start3A_81, %dma_start3A_82] : memref<10000x128xf32, #tpu.memory_space<vmem_shared>> -> memref<10000x128xf32, #tpu.memory_space<vmem_shared>>
        tpu.enqueue_indirect_dma source(%dma_start3A_77 : memref<128x128xf32, #tpu.memory_space<vmem>>) target(%dma_start3A_83 : memref<10000x128xf32, #tpu.memory_space<vmem_shared>>) offsets(%dma_start3A_80 : memref<128xi32, #tpu.memory_space<vmem>>) semaphore(%run_scoped3A_75 : memref<!tpu.dma_semaphore, #tpu.memory_space<semaphore_mem>>) {add = true}
        %dma_wait3A = arith.constant 128 : i32
        %dma_wait3A_84 = arith.constant 0 : i32
        %dma_wait3A_85 = tpu.memref_slice %arg6[%dma_wait3A, %dma_wait3A_84] : memref<256x128xf32, #tpu.memory_space<vmem>> -> memref<128x128xf32, #tpu.memory_space<vmem>>
        %dma_wait3A_86 = arith.constant 0 : i32
        %dma_wait3A_87 = tpu.memref_slice %arg7[%run_scoped3A_60, %dma_wait3A_86] : memref<8x128xi32, #tpu.memory_space<vmem>> -> memref<1x128xi32, #tpu.memory_space<vmem>>
        %dma_wait3A_88 = tpu.memref_squeeze %dma_wait3A_87 : memref<1x128xi32, #tpu.memory_space<vmem>> -> memref<128xi32, #tpu.memory_space<vmem>>
        %dma_wait3A_89 = arith.constant 0 : i32
        %dma_wait3A_90 = arith.constant 0 : i32
        %dma_wait3A_91 = tpu.memref_slice %arg8[%dma_wait3A_89, %dma_wait3A_90] : memref<10000x128xf32, #tpu.memory_space<vmem_shared>> -> memref<10000x128xf32, #tpu.memory_space<vmem_shared>>
        tpu.wait_indirect_dma semaphore(%run_scoped3A_75 : memref<!tpu.dma_semaphore, #tpu.memory_space<semaphore_mem>>) src(%dma_wait3A_85 : memref<128x128xf32, #tpu.memory_space<vmem>>) dst(%dma_wait3A_91 : memref<10000x128xf32, #tpu.memory_space<vmem_shared>>)
        tpu.yield
      }) : () -> ()
      %mul3A_61 = arith.constant 1024 : i32
      %mul3A_62 = arith.muli %add3A_44, %mul3A_61 : i32
      %add3A_63 = arith.constant 512 : i32
      %add3A_64 = arith.addi %mul3A_62, %add3A_63 : i32
      %multiple_of3A_65 = tpu.assume_multiple %add3A_64, 8 : i32
      "tpu.region"() ({
        %run_scoped3A_75 = tpu.sem_alloc : memref<!tpu.dma_semaphore, #tpu.memory_space<semaphore_mem>>
        %dma_start3A = arith.constant 0 : i32
        %dma_start3A_76 = tpu.memref_slice %arg2[%multiple_of3A_65, %dma_start3A] : memref<320000x128xf32, #tpu.memory_space<hbm>> -> memref<256x128xf32, #tpu.memory_space<hbm>>
        %dma_start3A_77 = arith.constant 0 : i32
        %dma_start3A_78 = tpu.memref_slice %arg2[%multiple_of3A_65, %dma_start3A_77] : memref<320000x128xf32, #tpu.memory_space<hbm>> -> memref<256x128xf32, #tpu.memory_space<hbm>>
        tpu.enqueue_dma source(%dma_start3A_78 : memref<256x128xf32, #tpu.memory_space<hbm>>) target(%arg6 : memref<256x128xf32, #tpu.memory_space<vmem>>) target_semaphore(%run_scoped3A_75 : memref<!tpu.dma_semaphore, #tpu.memory_space<semaphore_mem>>)
        %dma_wait3A = arith.constant 0 : i32
        %dma_wait3A_79 = tpu.memref_slice %arg2[%multiple_of3A_65, %dma_wait3A] : memref<320000x128xf32, #tpu.memory_space<hbm>> -> memref<256x128xf32, #tpu.memory_space<hbm>>
        %dma_wait3A_80 = arith.constant 0 : i32
        %dma_wait3A_81 = tpu.memref_slice %arg2[%multiple_of3A_65, %dma_wait3A_80] : memref<320000x128xf32, #tpu.memory_space<hbm>> -> memref<256x128xf32, #tpu.memory_space<hbm>>
        tpu.wait_dma2 semaphore(%run_scoped3A_75 : memref<!tpu.dma_semaphore, #tpu.memory_space<semaphore_mem>>) src(%dma_wait3A_81 : memref<256x128xf32, #tpu.memory_space<hbm>>) dst(%arg6 : memref<256x128xf32, #tpu.memory_space<vmem>>)
        tpu.yield
      }) : () -> ()
      %run_scoped3A_66 = arith.constant 4 : i32
      "tpu.region"() ({
        %run_scoped3A_75 = tpu.sem_alloc : memref<!tpu.dma_semaphore, #tpu.memory_space<semaphore_mem>>
        %dma_start3A = arith.constant 0 : i32
        %dma_start3A_76 = arith.constant 0 : i32
        %dma_start3A_77 = tpu.memref_slice %arg6[%dma_start3A, %dma_start3A_76] : memref<256x128xf32, #tpu.memory_space<vmem>> -> memref<128x128xf32, #tpu.memory_space<vmem>>
        %dma_start3A_78 = arith.constant 0 : i32
        %dma_start3A_79 = tpu.memref_slice %arg7[%run_scoped3A_66, %dma_start3A_78] : memref<8x128xi32, #tpu.memory_space<vmem>> -> memref<1x128xi32, #tpu.memory_space<vmem>>
        %dma_start3A_80 = tpu.memref_squeeze %dma_start3A_79 : memref<1x128xi32, #tpu.memory_space<vmem>> -> memref<128xi32, #tpu.memory_space<vmem>>
        %dma_start3A_81 = arith.constant 0 : i32
        %dma_start3A_82 = arith.constant 0 : i32
        %dma_start3A_83 = tpu.memref_slice %arg8[%dma_start3A_81, %dma_start3A_82] : memref<10000x128xf32, #tpu.memory_space<vmem_shared>> -> memref<10000x128xf32, #tpu.memory_space<vmem_shared>>
        tpu.enqueue_indirect_dma source(%dma_start3A_77 : memref<128x128xf32, #tpu.memory_space<vmem>>) target(%dma_start3A_83 : memref<10000x128xf32, #tpu.memory_space<vmem_shared>>) offsets(%dma_start3A_80 : memref<128xi32, #tpu.memory_space<vmem>>) semaphore(%run_scoped3A_75 : memref<!tpu.dma_semaphore, #tpu.memory_space<semaphore_mem>>) {add = true}
        %dma_wait3A = arith.constant 0 : i32
        %dma_wait3A_84 = arith.constant 0 : i32
        %dma_wait3A_85 = tpu.memref_slice %arg6[%dma_wait3A, %dma_wait3A_84] : memref<256x128xf32, #tpu.memory_space<vmem>> -> memref<128x128xf32, #tpu.memory_space<vmem>>
        %dma_wait3A_86 = arith.constant 0 : i32
        %dma_wait3A_87 = tpu.memref_slice %arg7[%run_scoped3A_66, %dma_wait3A_86] : memref<8x128xi32, #tpu.memory_space<vmem>> -> memref<1x128xi32, #tpu.memory_space<vmem>>
        %dma_wait3A_88 = tpu.memref_squeeze %dma_wait3A_87 : memref<1x128xi32, #tpu.memory_space<vmem>> -> memref<128xi32, #tpu.memory_space<vmem>>
        %dma_wait3A_89 = arith.constant 0 : i32
        %dma_wait3A_90 = arith.constant 0 : i32
        %dma_wait3A_91 = tpu.memref_slice %arg8[%dma_wait3A_89, %dma_wait3A_90] : memref<10000x128xf32, #tpu.memory_space<vmem_shared>> -> memref<10000x128xf32, #tpu.memory_space<vmem_shared>>
        tpu.wait_indirect_dma semaphore(%run_scoped3A_75 : memref<!tpu.dma_semaphore, #tpu.memory_space<semaphore_mem>>) src(%dma_wait3A_85 : memref<128x128xf32, #tpu.memory_space<vmem>>) dst(%dma_wait3A_91 : memref<10000x128xf32, #tpu.memory_space<vmem_shared>>)
        tpu.yield
      }) : () -> ()
      %run_scoped3A_67 = arith.constant 5 : i32
      "tpu.region"() ({
        %run_scoped3A_75 = tpu.sem_alloc : memref<!tpu.dma_semaphore, #tpu.memory_space<semaphore_mem>>
        %dma_start3A = arith.constant 128 : i32
        %dma_start3A_76 = arith.constant 0 : i32
        %dma_start3A_77 = tpu.memref_slice %arg6[%dma_start3A, %dma_start3A_76] : memref<256x128xf32, #tpu.memory_space<vmem>> -> memref<128x128xf32, #tpu.memory_space<vmem>>
        %dma_start3A_78 = arith.constant 0 : i32
        %dma_start3A_79 = tpu.memref_slice %arg7[%run_scoped3A_67, %dma_start3A_78] : memref<8x128xi32, #tpu.memory_space<vmem>> -> memref<1x128xi32, #tpu.memory_space<vmem>>
        %dma_start3A_80 = tpu.memref_squeeze %dma_start3A_79 : memref<1x128xi32, #tpu.memory_space<vmem>> -> memref<128xi32, #tpu.memory_space<vmem>>
        %dma_start3A_81 = arith.constant 0 : i32
        %dma_start3A_82 = arith.constant 0 : i32
        %dma_start3A_83 = tpu.memref_slice %arg8[%dma_start3A_81, %dma_start3A_82] : memref<10000x128xf32, #tpu.memory_space<vmem_shared>> -> memref<10000x128xf32, #tpu.memory_space<vmem_shared>>
        tpu.enqueue_indirect_dma source(%dma_start3A_77 : memref<128x128xf32, #tpu.memory_space<vmem>>) target(%dma_start3A_83 : memref<10000x128xf32, #tpu.memory_space<vmem_shared>>) offsets(%dma_start3A_80 : memref<128xi32, #tpu.memory_space<vmem>>) semaphore(%run_scoped3A_75 : memref<!tpu.dma_semaphore, #tpu.memory_space<semaphore_mem>>) {add = true}
        %dma_wait3A = arith.constant 128 : i32
        %dma_wait3A_84 = arith.constant 0 : i32
        %dma_wait3A_85 = tpu.memref_slice %arg6[%dma_wait3A, %dma_wait3A_84] : memref<256x128xf32, #tpu.memory_space<vmem>> -> memref<128x128xf32, #tpu.memory_space<vmem>>
        %dma_wait3A_86 = arith.constant 0 : i32
        %dma_wait3A_87 = tpu.memref_slice %arg7[%run_scoped3A_67, %dma_wait3A_86] : memref<8x128xi32, #tpu.memory_space<vmem>> -> memref<1x128xi32, #tpu.memory_space<vmem>>
        %dma_wait3A_88 = tpu.memref_squeeze %dma_wait3A_87 : memref<1x128xi32, #tpu.memory_space<vmem>> -> memref<128xi32, #tpu.memory_space<vmem>>
        %dma_wait3A_89 = arith.constant 0 : i32
        %dma_wait3A_90 = arith.constant 0 : i32
        %dma_wait3A_91 = tpu.memref_slice %arg8[%dma_wait3A_89, %dma_wait3A_90] : memref<10000x128xf32, #tpu.memory_space<vmem_shared>> -> memref<10000x128xf32, #tpu.memory_space<vmem_shared>>
        tpu.wait_indirect_dma semaphore(%run_scoped3A_75 : memref<!tpu.dma_semaphore, #tpu.memory_space<semaphore_mem>>) src(%dma_wait3A_85 : memref<128x128xf32, #tpu.memory_space<vmem>>) dst(%dma_wait3A_91 : memref<10000x128xf32, #tpu.memory_space<vmem_shared>>)
        tpu.yield
      }) : () -> ()
      %mul3A_68 = arith.constant 1024 : i32
      %mul3A_69 = arith.muli %add3A_44, %mul3A_68 : i32
      %add3A_70 = arith.constant 768 : i32
      %add3A_71 = arith.addi %mul3A_69, %add3A_70 : i32
      %multiple_of3A_72 = tpu.assume_multiple %add3A_71, 8 : i32
      "tpu.region"() ({
        %run_scoped3A_75 = tpu.sem_alloc : memref<!tpu.dma_semaphore, #tpu.memory_space<semaphore_mem>>
        %dma_start3A = arith.constant 0 : i32
        %dma_start3A_76 = tpu.memref_slice %arg2[%multiple_of3A_72, %dma_start3A] : memref<320000x128xf32, #tpu.memory_space<hbm>> -> memref<256x128xf32, #tpu.memory_space<hbm>>
        %dma_start3A_77 = arith.constant 0 : i32
        %dma_start3A_78 = tpu.memref_slice %arg2[%multiple_of3A_72, %dma_start3A_77] : memref<320000x128xf32, #tpu.memory_space<hbm>> -> memref<256x128xf32, #tpu.memory_space<hbm>>
        tpu.enqueue_dma source(%dma_start3A_78 : memref<256x128xf32, #tpu.memory_space<hbm>>) target(%arg6 : memref<256x128xf32, #tpu.memory_space<vmem>>) target_semaphore(%run_scoped3A_75 : memref<!tpu.dma_semaphore, #tpu.memory_space<semaphore_mem>>)
        %dma_wait3A = arith.constant 0 : i32
        %dma_wait3A_79 = tpu.memref_slice %arg2[%multiple_of3A_72, %dma_wait3A] : memref<320000x128xf32, #tpu.memory_space<hbm>> -> memref<256x128xf32, #tpu.memory_space<hbm>>
        %dma_wait3A_80 = arith.constant 0 : i32
        %dma_wait3A_81 = tpu.memref_slice %arg2[%multiple_of3A_72, %dma_wait3A_80] : memref<320000x128xf32, #tpu.memory_space<hbm>> -> memref<256x128xf32, #tpu.memory_space<hbm>>
        tpu.wait_dma2 semaphore(%run_scoped3A_75 : memref<!tpu.dma_semaphore, #tpu.memory_space<semaphore_mem>>) src(%dma_wait3A_81 : memref<256x128xf32, #tpu.memory_space<hbm>>) dst(%arg6 : memref<256x128xf32, #tpu.memory_space<vmem>>)
        tpu.yield
      }) : () -> ()
      %run_scoped3A_73 = arith.constant 6 : i32
      "tpu.region"() ({
        %run_scoped3A_75 = tpu.sem_alloc : memref<!tpu.dma_semaphore, #tpu.memory_space<semaphore_mem>>
        %dma_start3A = arith.constant 0 : i32
        %dma_start3A_76 = arith.constant 0 : i32
        %dma_start3A_77 = tpu.memref_slice %arg6[%dma_start3A, %dma_start3A_76] : memref<256x128xf32, #tpu.memory_space<vmem>> -> memref<128x128xf32, #tpu.memory_space<vmem>>
        %dma_start3A_78 = arith.constant 0 : i32
        %dma_start3A_79 = tpu.memref_slice %arg7[%run_scoped3A_73, %dma_start3A_78] : memref<8x128xi32, #tpu.memory_space<vmem>> -> memref<1x128xi32, #tpu.memory_space<vmem>>
        %dma_start3A_80 = tpu.memref_squeeze %dma_start3A_79 : memref<1x128xi32, #tpu.memory_space<vmem>> -> memref<128xi32, #tpu.memory_space<vmem>>
        %dma_start3A_81 = arith.constant 0 : i32
        %dma_start3A_82 = arith.constant 0 : i32
        %dma_start3A_83 = tpu.memref_slice %arg8[%dma_start3A_81, %dma_start3A_82] : memref<10000x128xf32, #tpu.memory_space<vmem_shared>> -> memref<10000x128xf32, #tpu.memory_space<vmem_shared>>
        tpu.enqueue_indirect_dma source(%dma_start3A_77 : memref<128x128xf32, #tpu.memory_space<vmem>>) target(%dma_start3A_83 : memref<10000x128xf32, #tpu.memory_space<vmem_shared>>) offsets(%dma_start3A_80 : memref<128xi32, #tpu.memory_space<vmem>>) semaphore(%run_scoped3A_75 : memref<!tpu.dma_semaphore, #tpu.memory_space<semaphore_mem>>) {add = true}
        %dma_wait3A = arith.constant 0 : i32
        %dma_wait3A_84 = arith.constant 0 : i32
        %dma_wait3A_85 = tpu.memref_slice %arg6[%dma_wait3A, %dma_wait3A_84] : memref<256x128xf32, #tpu.memory_space<vmem>> -> memref<128x128xf32, #tpu.memory_space<vmem>>
        %dma_wait3A_86 = arith.constant 0 : i32
        %dma_wait3A_87 = tpu.memref_slice %arg7[%run_scoped3A_73, %dma_wait3A_86] : memref<8x128xi32, #tpu.memory_space<vmem>> -> memref<1x128xi32, #tpu.memory_space<vmem>>
        %dma_wait3A_88 = tpu.memref_squeeze %dma_wait3A_87 : memref<1x128xi32, #tpu.memory_space<vmem>> -> memref<128xi32, #tpu.memory_space<vmem>>
        %dma_wait3A_89 = arith.constant 0 : i32
        %dma_wait3A_90 = arith.constant 0 : i32
        %dma_wait3A_91 = tpu.memref_slice %arg8[%dma_wait3A_89, %dma_wait3A_90] : memref<10000x128xf32, #tpu.memory_space<vmem_shared>> -> memref<10000x128xf32, #tpu.memory_space<vmem_shared>>
        tpu.wait_indirect_dma semaphore(%run_scoped3A_75 : memref<!tpu.dma_semaphore, #tpu.memory_space<semaphore_mem>>) src(%dma_wait3A_85 : memref<128x128xf32, #tpu.memory_space<vmem>>) dst(%dma_wait3A_91 : memref<10000x128xf32, #tpu.memory_space<vmem_shared>>)
        tpu.yield
      }) : () -> ()
      %run_scoped3A_74 = arith.constant 7 : i32
      "tpu.region"() ({
        %run_scoped3A_75 = tpu.sem_alloc : memref<!tpu.dma_semaphore, #tpu.memory_space<semaphore_mem>>
        %dma_start3A = arith.constant 128 : i32
        %dma_start3A_76 = arith.constant 0 : i32
        %dma_start3A_77 = tpu.memref_slice %arg6[%dma_start3A, %dma_start3A_76] : memref<256x128xf32, #tpu.memory_space<vmem>> -> memref<128x128xf32, #tpu.memory_space<vmem>>
        %dma_start3A_78 = arith.constant 0 : i32
        %dma_start3A_79 = tpu.memref_slice %arg7[%run_scoped3A_74, %dma_start3A_78] : memref<8x128xi32, #tpu.memory_space<vmem>> -> memref<1x128xi32, #tpu.memory_space<vmem>>
        %dma_start3A_80 = tpu.memref_squeeze %dma_start3A_79 : memref<1x128xi32, #tpu.memory_space<vmem>> -> memref<128xi32, #tpu.memory_space<vmem>>
        %dma_start3A_81 = arith.constant 0 : i32
        %dma_start3A_82 = arith.constant 0 : i32
        %dma_start3A_83 = tpu.memref_slice %arg8[%dma_start3A_81, %dma_start3A_82] : memref<10000x128xf32, #tpu.memory_space<vmem_shared>> -> memref<10000x128xf32, #tpu.memory_space<vmem_shared>>
        tpu.enqueue_indirect_dma source(%dma_start3A_77 : memref<128x128xf32, #tpu.memory_space<vmem>>) target(%dma_start3A_83 : memref<10000x128xf32, #tpu.memory_space<vmem_shared>>) offsets(%dma_start3A_80 : memref<128xi32, #tpu.memory_space<vmem>>) semaphore(%run_scoped3A_75 : memref<!tpu.dma_semaphore, #tpu.memory_space<semaphore_mem>>) {add = true}
        %dma_wait3A = arith.constant 128 : i32
        %dma_wait3A_84 = arith.constant 0 : i32
        %dma_wait3A_85 = tpu.memref_slice %arg6[%dma_wait3A, %dma_wait3A_84] : memref<256x128xf32, #tpu.memory_space<vmem>> -> memref<128x128xf32, #tpu.memory_space<vmem>>
        %dma_wait3A_86 = arith.constant 0 : i32
        %dma_wait3A_87 = tpu.memref_slice %arg7[%run_scoped3A_74, %dma_wait3A_86] : memref<8x128xi32, #tpu.memory_space<vmem>> -> memref<1x128xi32, #tpu.memory_space<vmem>>
        %dma_wait3A_88 = tpu.memref_squeeze %dma_wait3A_87 : memref<1x128xi32, #tpu.memory_space<vmem>> -> memref<128xi32, #tpu.memory_space<vmem>>
        %dma_wait3A_89 = arith.constant 0 : i32
        %dma_wait3A_90 = arith.constant 0 : i32
        %dma_wait3A_91 = tpu.memref_slice %arg8[%dma_wait3A_89, %dma_wait3A_90] : memref<10000x128xf32, #tpu.memory_space<vmem_shared>> -> memref<10000x128xf32, #tpu.memory_space<vmem_shared>>
        tpu.wait_indirect_dma semaphore(%run_scoped3A_75 : memref<!tpu.dma_semaphore, #tpu.memory_space<semaphore_mem>>) src(%dma_wait3A_85 : memref<128x128xf32, #tpu.memory_space<vmem>>) dst(%dma_wait3A_91 : memref<10000x128xf32, #tpu.memory_space<vmem_shared>>)
        tpu.yield
      }) : () -> ()
    }
    %while3A_23 = arith.constant 1 : i32
    scf.for %while3A_43 = %while3A_21 to %while3A_17 step %while3A_23  : i32 {
      %add3A_44 = arith.addi %sub3A_10, %while3A_43 : i32
      %mul3A_45 = arith.constant 8 : i32
      %mul3A_46 = arith.muli %add3A_44, %mul3A_45 : i32
      %multiple_of3A_47 = tpu.assume_multiple %mul3A_46, 8 : i32
      "tpu.region"() ({
        %run_scoped3A_75 = tpu.sem_alloc : memref<!tpu.dma_semaphore, #tpu.memory_space<semaphore_mem>>
        %dma_start3A = arith.constant 0 : i32
        %dma_start3A_76 = tpu.memref_slice %arg3[%multiple_of3A_47, %dma_start3A] : memref<2504x128xi32, #tpu.memory_space<hbm>> -> memref<8x128xi32, #tpu.memory_space<hbm>>
        %dma_start3A_77 = arith.constant 0 : i32
        %dma_start3A_78 = tpu.memref_slice %arg3[%multiple_of3A_47, %dma_start3A_77] : memref<2504x128xi32, #tpu.memory_space<hbm>> -> memref<8x128xi32, #tpu.memory_space<hbm>>
        tpu.enqueue_dma source(%dma_start3A_78 : memref<8x128xi32, #tpu.memory_space<hbm>>) target(%arg7 : memref<8x128xi32, #tpu.memory_space<vmem>>) target_semaphore(%run_scoped3A_75 : memref<!tpu.dma_semaphore, #tpu.memory_space<semaphore_mem>>)
        %dma_wait3A = arith.constant 0 : i32
        %dma_wait3A_79 = tpu.memref_slice %arg3[%multiple_of3A_47, %dma_wait3A] : memref<2504x128xi32, #tpu.memory_space<hbm>> -> memref<8x128xi32, #tpu.memory_space<hbm>>
        %dma_wait3A_80 = arith.constant 0 : i32
        %dma_wait3A_81 = tpu.memref_slice %arg3[%multiple_of3A_47, %dma_wait3A_80] : memref<2504x128xi32, #tpu.memory_space<hbm>> -> memref<8x128xi32, #tpu.memory_space<hbm>>
        tpu.wait_dma2 semaphore(%run_scoped3A_75 : memref<!tpu.dma_semaphore, #tpu.memory_space<semaphore_mem>>) src(%dma_wait3A_81 : memref<8x128xi32, #tpu.memory_space<hbm>>) dst(%arg7 : memref<8x128xi32, #tpu.memory_space<vmem>>)
        tpu.yield
      }) : () -> ()
      %mul3A_48 = arith.constant 1024 : i32
      %mul3A_49 = arith.muli %add3A_44, %mul3A_48 : i32
      %add3A_50 = arith.constant 0 : i32
      %add3A_51 = arith.addi %mul3A_49, %add3A_50 : i32
      %multiple_of3A_52 = tpu.assume_multiple %add3A_51, 8 : i32
      "tpu.region"() ({
        %run_scoped3A_75 = tpu.sem_alloc : memref<!tpu.dma_semaphore, #tpu.memory_space<semaphore_mem>>
        %dma_start3A = arith.constant 0 : i32
        %dma_start3A_76 = tpu.memref_slice %arg2[%multiple_of3A_52, %dma_start3A] : memref<320000x128xf32, #tpu.memory_space<hbm>> -> memref<256x128xf32, #tpu.memory_space<hbm>>
        %dma_start3A_77 = arith.constant 0 : i32
        %dma_start3A_78 = tpu.memref_slice %arg2[%multiple_of3A_52, %dma_start3A_77] : memref<320000x128xf32, #tpu.memory_space<hbm>> -> memref<256x128xf32, #tpu.memory_space<hbm>>
        tpu.enqueue_dma source(%dma_start3A_78 : memref<256x128xf32, #tpu.memory_space<hbm>>) target(%arg6 : memref<256x128xf32, #tpu.memory_space<vmem>>) target_semaphore(%run_scoped3A_75 : memref<!tpu.dma_semaphore, #tpu.memory_space<semaphore_mem>>)
        %dma_wait3A = arith.constant 0 : i32
        %dma_wait3A_79 = tpu.memref_slice %arg2[%multiple_of3A_52, %dma_wait3A] : memref<320000x128xf32, #tpu.memory_space<hbm>> -> memref<256x128xf32, #tpu.memory_space<hbm>>
        %dma_wait3A_80 = arith.constant 0 : i32
        %dma_wait3A_81 = tpu.memref_slice %arg2[%multiple_of3A_52, %dma_wait3A_80] : memref<320000x128xf32, #tpu.memory_space<hbm>> -> memref<256x128xf32, #tpu.memory_space<hbm>>
        tpu.wait_dma2 semaphore(%run_scoped3A_75 : memref<!tpu.dma_semaphore, #tpu.memory_space<semaphore_mem>>) src(%dma_wait3A_81 : memref<256x128xf32, #tpu.memory_space<hbm>>) dst(%arg6 : memref<256x128xf32, #tpu.memory_space<vmem>>)
        tpu.yield
      }) : () -> ()
      %run_scoped3A = arith.constant 0 : i32
      "tpu.region"() ({
        %run_scoped3A_75 = tpu.sem_alloc : memref<!tpu.dma_semaphore, #tpu.memory_space<semaphore_mem>>
        %dma_start3A = arith.constant 0 : i32
        %dma_start3A_76 = arith.constant 0 : i32
        %dma_start3A_77 = tpu.memref_slice %arg6[%dma_start3A, %dma_start3A_76] : memref<256x128xf32, #tpu.memory_space<vmem>> -> memref<128x128xf32, #tpu.memory_space<vmem>>
        %dma_start3A_78 = arith.constant 0 : i32
        %dma_start3A_79 = tpu.memref_slice %arg7[%run_scoped3A, %dma_start3A_78] : memref<8x128xi32, #tpu.memory_space<vmem>> -> memref<1x128xi32, #tpu.memory_space<vmem>>
        %dma_start3A_80 = tpu.memref_squeeze %dma_start3A_79 : memref<1x128xi32, #tpu.memory_space<vmem>> -> memref<128xi32, #tpu.memory_space<vmem>>
        %dma_start3A_81 = arith.constant 0 : i32
        %dma_start3A_82 = arith.constant 0 : i32
        %dma_start3A_83 = tpu.memref_slice %arg8[%dma_start3A_81, %dma_start3A_82] : memref<10000x128xf32, #tpu.memory_space<vmem_shared>> -> memref<10000x128xf32, #tpu.memory_space<vmem_shared>>
        tpu.enqueue_indirect_dma source(%dma_start3A_77 : memref<128x128xf32, #tpu.memory_space<vmem>>) target(%dma_start3A_83 : memref<10000x128xf32, #tpu.memory_space<vmem_shared>>) offsets(%dma_start3A_80 : memref<128xi32, #tpu.memory_space<vmem>>) semaphore(%run_scoped3A_75 : memref<!tpu.dma_semaphore, #tpu.memory_space<semaphore_mem>>) {add = true}
        %dma_wait3A = arith.constant 0 : i32
        %dma_wait3A_84 = arith.constant 0 : i32
        %dma_wait3A_85 = tpu.memref_slice %arg6[%dma_wait3A, %dma_wait3A_84] : memref<256x128xf32, #tpu.memory_space<vmem>> -> memref<128x128xf32, #tpu.memory_space<vmem>>
        %dma_wait3A_86 = arith.constant 0 : i32
        %dma_wait3A_87 = tpu.memref_slice %arg7[%run_scoped3A, %dma_wait3A_86] : memref<8x128xi32, #tpu.memory_space<vmem>> -> memref<1x128xi32, #tpu.memory_space<vmem>>
        %dma_wait3A_88 = tpu.memref_squeeze %dma_wait3A_87 : memref<1x128xi32, #tpu.memory_space<vmem>> -> memref<128xi32, #tpu.memory_space<vmem>>
        %dma_wait3A_89 = arith.constant 0 : i32
        %dma_wait3A_90 = arith.constant 0 : i32
        %dma_wait3A_91 = tpu.memref_slice %arg8[%dma_wait3A_89, %dma_wait3A_90] : memref<10000x128xf32, #tpu.memory_space<vmem_shared>> -> memref<10000x128xf32, #tpu.memory_space<vmem_shared>>
        tpu.wait_indirect_dma semaphore(%run_scoped3A_75 : memref<!tpu.dma_semaphore, #tpu.memory_space<semaphore_mem>>) src(%dma_wait3A_85 : memref<128x128xf32, #tpu.memory_space<vmem>>) dst(%dma_wait3A_91 : memref<10000x128xf32, #tpu.memory_space<vmem_shared>>)
        tpu.yield
      }) : () -> ()
      %run_scoped3A_53 = arith.constant 1 : i32
      "tpu.region"() ({
        %run_scoped3A_75 = tpu.sem_alloc : memref<!tpu.dma_semaphore, #tpu.memory_space<semaphore_mem>>
        %dma_start3A = arith.constant 128 : i32
        %dma_start3A_76 = arith.constant 0 : i32
        %dma_start3A_77 = tpu.memref_slice %arg6[%dma_start3A, %dma_start3A_76] : memref<256x128xf32, #tpu.memory_space<vmem>> -> memref<128x128xf32, #tpu.memory_space<vmem>>
        %dma_start3A_78 = arith.constant 0 : i32
        %dma_start3A_79 = tpu.memref_slice %arg7[%run_scoped3A_53, %dma_start3A_78] : memref<8x128xi32, #tpu.memory_space<vmem>> -> memref<1x128xi32, #tpu.memory_space<vmem>>
        %dma_start3A_80 = tpu.memref_squeeze %dma_start3A_79 : memref<1x128xi32, #tpu.memory_space<vmem>> -> memref<128xi32, #tpu.memory_space<vmem>>
        %dma_start3A_81 = arith.constant 0 : i32
        %dma_start3A_82 = arith.constant 0 : i32
        %dma_start3A_83 = tpu.memref_slice %arg8[%dma_start3A_81, %dma_start3A_82] : memref<10000x128xf32, #tpu.memory_space<vmem_shared>> -> memref<10000x128xf32, #tpu.memory_space<vmem_shared>>
        tpu.enqueue_indirect_dma source(%dma_start3A_77 : memref<128x128xf32, #tpu.memory_space<vmem>>) target(%dma_start3A_83 : memref<10000x128xf32, #tpu.memory_space<vmem_shared>>) offsets(%dma_start3A_80 : memref<128xi32, #tpu.memory_space<vmem>>) semaphore(%run_scoped3A_75 : memref<!tpu.dma_semaphore, #tpu.memory_space<semaphore_mem>>) {add = true}
        %dma_wait3A = arith.constant 128 : i32
        %dma_wait3A_84 = arith.constant 0 : i32
        %dma_wait3A_85 = tpu.memref_slice %arg6[%dma_wait3A, %dma_wait3A_84] : memref<256x128xf32, #tpu.memory_space<vmem>> -> memref<128x128xf32, #tpu.memory_space<vmem>>
        %dma_wait3A_86 = arith.constant 0 : i32
        %dma_wait3A_87 = tpu.memref_slice %arg7[%run_scoped3A_53, %dma_wait3A_86] : memref<8x128xi32, #tpu.memory_space<vmem>> -> memref<1x128xi32, #tpu.memory_space<vmem>>
        %dma_wait3A_88 = tpu.memref_squeeze %dma_wait3A_87 : memref<1x128xi32, #tpu.memory_space<vmem>> -> memref<128xi32, #tpu.memory_space<vmem>>
        %dma_wait3A_89 = arith.constant 0 : i32
        %dma_wait3A_90 = arith.constant 0 : i32
        %dma_wait3A_91 = tpu.memref_slice %arg8[%dma_wait3A_89, %dma_wait3A_90] : memref<10000x128xf32, #tpu.memory_space<vmem_shared>> -> memref<10000x128xf32, #tpu.memory_space<vmem_shared>>
        tpu.wait_indirect_dma semaphore(%run_scoped3A_75 : memref<!tpu.dma_semaphore, #tpu.memory_space<semaphore_mem>>) src(%dma_wait3A_85 : memref<128x128xf32, #tpu.memory_space<vmem>>) dst(%dma_wait3A_91 : memref<10000x128xf32, #tpu.memory_space<vmem_shared>>)
        tpu.yield
      }) : () -> ()
      %mul3A_54 = arith.constant 1024 : i32
      %mul3A_55 = arith.muli %add3A_44, %mul3A_54 : i32
      %add3A_56 = arith.constant 256 : i32
      %add3A_57 = arith.addi %mul3A_55, %add3A_56 : i32
      %multiple_of3A_58 = tpu.assume_multiple %add3A_57, 8 : i32
      "tpu.region"() ({
        %run_scoped3A_75 = tpu.sem_alloc : memref<!tpu.dma_semaphore, #tpu.memory_space<semaphore_mem>>
        %dma_start3A = arith.constant 0 : i32
        %dma_start3A_76 = tpu.memref_slice %arg2[%multiple_of3A_58, %dma_start3A] : memref<320000x128xf32, #tpu.memory_space<hbm>> -> memref<256x128xf32, #tpu.memory_space<hbm>>
        %dma_start3A_77 = arith.constant 0 : i32
        %dma_start3A_78 = tpu.memref_slice %arg2[%multiple_of3A_58, %dma_start3A_77] : memref<320000x128xf32, #tpu.memory_space<hbm>> -> memref<256x128xf32, #tpu.memory_space<hbm>>
        tpu.enqueue_dma source(%dma_start3A_78 : memref<256x128xf32, #tpu.memory_space<hbm>>) target(%arg6 : memref<256x128xf32, #tpu.memory_space<vmem>>) target_semaphore(%run_scoped3A_75 : memref<!tpu.dma_semaphore, #tpu.memory_space<semaphore_mem>>)
        %dma_wait3A = arith.constant 0 : i32
        %dma_wait3A_79 = tpu.memref_slice %arg2[%multiple_of3A_58, %dma_wait3A] : memref<320000x128xf32, #tpu.memory_space<hbm>> -> memref<256x128xf32, #tpu.memory_space<hbm>>
        %dma_wait3A_80 = arith.constant 0 : i32
        %dma_wait3A_81 = tpu.memref_slice %arg2[%multiple_of3A_58, %dma_wait3A_80] : memref<320000x128xf32, #tpu.memory_space<hbm>> -> memref<256x128xf32, #tpu.memory_space<hbm>>
        tpu.wait_dma2 semaphore(%run_scoped3A_75 : memref<!tpu.dma_semaphore, #tpu.memory_space<semaphore_mem>>) src(%dma_wait3A_81 : memref<256x128xf32, #tpu.memory_space<hbm>>) dst(%arg6 : memref<256x128xf32, #tpu.memory_space<vmem>>)
        tpu.yield
      }) : () -> ()
      %run_scoped3A_59 = arith.constant 2 : i32
      "tpu.region"() ({
        %run_scoped3A_75 = tpu.sem_alloc : memref<!tpu.dma_semaphore, #tpu.memory_space<semaphore_mem>>
        %dma_start3A = arith.constant 0 : i32
        %dma_start3A_76 = arith.constant 0 : i32
        %dma_start3A_77 = tpu.memref_slice %arg6[%dma_start3A, %dma_start3A_76] : memref<256x128xf32, #tpu.memory_space<vmem>> -> memref<128x128xf32, #tpu.memory_space<vmem>>
        %dma_start3A_78 = arith.constant 0 : i32
        %dma_start3A_79 = tpu.memref_slice %arg7[%run_scoped3A_59, %dma_start3A_78] : memref<8x128xi32, #tpu.memory_space<vmem>> -> memref<1x128xi32, #tpu.memory_space<vmem>>
        %dma_start3A_80 = tpu.memref_squeeze %dma_start3A_79 : memref<1x128xi32, #tpu.memory_space<vmem>> -> memref<128xi32, #tpu.memory_space<vmem>>
        %dma_start3A_81 = arith.constant 0 : i32
        %dma_start3A_82 = arith.constant 0 : i32
        %dma_start3A_83 = tpu.memref_slice %arg8[%dma_start3A_81, %dma_start3A_82] : memref<10000x128xf32, #tpu.memory_space<vmem_shared>> -> memref<10000x128xf32, #tpu.memory_space<vmem_shared>>
        tpu.enqueue_indirect_dma source(%dma_start3A_77 : memref<128x128xf32, #tpu.memory_space<vmem>>) target(%dma_start3A_83 : memref<10000x128xf32, #tpu.memory_space<vmem_shared>>) offsets(%dma_start3A_80 : memref<128xi32, #tpu.memory_space<vmem>>) semaphore(%run_scoped3A_75 : memref<!tpu.dma_semaphore, #tpu.memory_space<semaphore_mem>>) {add = true}
        %dma_wait3A = arith.constant 0 : i32
        %dma_wait3A_84 = arith.constant 0 : i32
        %dma_wait3A_85 = tpu.memref_slice %arg6[%dma_wait3A, %dma_wait3A_84] : memref<256x128xf32, #tpu.memory_space<vmem>> -> memref<128x128xf32, #tpu.memory_space<vmem>>
        %dma_wait3A_86 = arith.constant 0 : i32
        %dma_wait3A_87 = tpu.memref_slice %arg7[%run_scoped3A_59, %dma_wait3A_86] : memref<8x128xi32, #tpu.memory_space<vmem>> -> memref<1x128xi32, #tpu.memory_space<vmem>>
        %dma_wait3A_88 = tpu.memref_squeeze %dma_wait3A_87 : memref<1x128xi32, #tpu.memory_space<vmem>> -> memref<128xi32, #tpu.memory_space<vmem>>
        %dma_wait3A_89 = arith.constant 0 : i32
        %dma_wait3A_90 = arith.constant 0 : i32
        %dma_wait3A_91 = tpu.memref_slice %arg8[%dma_wait3A_89, %dma_wait3A_90] : memref<10000x128xf32, #tpu.memory_space<vmem_shared>> -> memref<10000x128xf32, #tpu.memory_space<vmem_shared>>
        tpu.wait_indirect_dma semaphore(%run_scoped3A_75 : memref<!tpu.dma_semaphore, #tpu.memory_space<semaphore_mem>>) src(%dma_wait3A_85 : memref<128x128xf32, #tpu.memory_space<vmem>>) dst(%dma_wait3A_91 : memref<10000x128xf32, #tpu.memory_space<vmem_shared>>)
        tpu.yield
      }) : () -> ()
      %run_scoped3A_60 = arith.constant 3 : i32
      "tpu.region"() ({
        %run_scoped3A_75 = tpu.sem_alloc : memref<!tpu.dma_semaphore, #tpu.memory_space<semaphore_mem>>
        %dma_start3A = arith.constant 128 : i32
        %dma_start3A_76 = arith.constant 0 : i32
        %dma_start3A_77 = tpu.memref_slice %arg6[%dma_start3A, %dma_start3A_76] : memref<256x128xf32, #tpu.memory_space<vmem>> -> memref<128x128xf32, #tpu.memory_space<vmem>>
        %dma_start3A_78 = arith.constant 0 : i32
        %dma_start3A_79 = tpu.memref_slice %arg7[%run_scoped3A_60, %dma_start3A_78] : memref<8x128xi32, #tpu.memory_space<vmem>> -> memref<1x128xi32, #tpu.memory_space<vmem>>
        %dma_start3A_80 = tpu.memref_squeeze %dma_start3A_79 : memref<1x128xi32, #tpu.memory_space<vmem>> -> memref<128xi32, #tpu.memory_space<vmem>>
        %dma_start3A_81 = arith.constant 0 : i32
        %dma_start3A_82 = arith.constant 0 : i32
        %dma_start3A_83 = tpu.memref_slice %arg8[%dma_start3A_81, %dma_start3A_82] : memref<10000x128xf32, #tpu.memory_space<vmem_shared>> -> memref<10000x128xf32, #tpu.memory_space<vmem_shared>>
        tpu.enqueue_indirect_dma source(%dma_start3A_77 : memref<128x128xf32, #tpu.memory_space<vmem>>) target(%dma_start3A_83 : memref<10000x128xf32, #tpu.memory_space<vmem_shared>>) offsets(%dma_start3A_80 : memref<128xi32, #tpu.memory_space<vmem>>) semaphore(%run_scoped3A_75 : memref<!tpu.dma_semaphore, #tpu.memory_space<semaphore_mem>>) {add = true}
        %dma_wait3A = arith.constant 128 : i32
        %dma_wait3A_84 = arith.constant 0 : i32
        %dma_wait3A_85 = tpu.memref_slice %arg6[%dma_wait3A, %dma_wait3A_84] : memref<256x128xf32, #tpu.memory_space<vmem>> -> memref<128x128xf32, #tpu.memory_space<vmem>>
        %dma_wait3A_86 = arith.constant 0 : i32
        %dma_wait3A_87 = tpu.memref_slice %arg7[%run_scoped3A_60, %dma_wait3A_86] : memref<8x128xi32, #tpu.memory_space<vmem>> -> memref<1x128xi32, #tpu.memory_space<vmem>>
        %dma_wait3A_88 = tpu.memref_squeeze %dma_wait3A_87 : memref<1x128xi32, #tpu.memory_space<vmem>> -> memref<128xi32, #tpu.memory_space<vmem>>
        %dma_wait3A_89 = arith.constant 0 : i32
        %dma_wait3A_90 = arith.constant 0 : i32
        %dma_wait3A_91 = tpu.memref_slice %arg8[%dma_wait3A_89, %dma_wait3A_90] : memref<10000x128xf32, #tpu.memory_space<vmem_shared>> -> memref<10000x128xf32, #tpu.memory_space<vmem_shared>>
        tpu.wait_indirect_dma semaphore(%run_scoped3A_75 : memref<!tpu.dma_semaphore, #tpu.memory_space<semaphore_mem>>) src(%dma_wait3A_85 : memref<128x128xf32, #tpu.memory_space<vmem>>) dst(%dma_wait3A_91 : memref<10000x128xf32, #tpu.memory_space<vmem_shared>>)
        tpu.yield
      }) : () -> ()
      %mul3A_61 = arith.constant 1024 : i32
      %mul3A_62 = arith.muli %add3A_44, %mul3A_61 : i32
      %add3A_63 = arith.constant 512 : i32
      %add3A_64 = arith.addi %mul3A_62, %add3A_63 : i32
      %multiple_of3A_65 = tpu.assume_multiple %add3A_64, 8 : i32
      "tpu.region"() ({
        %run_scoped3A_75 = tpu.sem_alloc : memref<!tpu.dma_semaphore, #tpu.memory_space<semaphore_mem>>
        %dma_start3A = arith.constant 0 : i32
        %dma_start3A_76 = tpu.memref_slice %arg2[%multiple_of3A_65, %dma_start3A] : memref<320000x128xf32, #tpu.memory_space<hbm>> -> memref<256x128xf32, #tpu.memory_space<hbm>>
        %dma_start3A_77 = arith.constant 0 : i32
        %dma_start3A_78 = tpu.memref_slice %arg2[%multiple_of3A_65, %dma_start3A_77] : memref<320000x128xf32, #tpu.memory_space<hbm>> -> memref<256x128xf32, #tpu.memory_space<hbm>>
        tpu.enqueue_dma source(%dma_start3A_78 : memref<256x128xf32, #tpu.memory_space<hbm>>) target(%arg6 : memref<256x128xf32, #tpu.memory_space<vmem>>) target_semaphore(%run_scoped3A_75 : memref<!tpu.dma_semaphore, #tpu.memory_space<semaphore_mem>>)
        %dma_wait3A = arith.constant 0 : i32
        %dma_wait3A_79 = tpu.memref_slice %arg2[%multiple_of3A_65, %dma_wait3A] : memref<320000x128xf32, #tpu.memory_space<hbm>> -> memref<256x128xf32, #tpu.memory_space<hbm>>
        %dma_wait3A_80 = arith.constant 0 : i32
        %dma_wait3A_81 = tpu.memref_slice %arg2[%multiple_of3A_65, %dma_wait3A_80] : memref<320000x128xf32, #tpu.memory_space<hbm>> -> memref<256x128xf32, #tpu.memory_space<hbm>>
        tpu.wait_dma2 semaphore(%run_scoped3A_75 : memref<!tpu.dma_semaphore, #tpu.memory_space<semaphore_mem>>) src(%dma_wait3A_81 : memref<256x128xf32, #tpu.memory_space<hbm>>) dst(%arg6 : memref<256x128xf32, #tpu.memory_space<vmem>>)
        tpu.yield
      }) : () -> ()
      %run_scoped3A_66 = arith.constant 4 : i32
      "tpu.region"() ({
        %run_scoped3A_75 = tpu.sem_alloc : memref<!tpu.dma_semaphore, #tpu.memory_space<semaphore_mem>>
        %dma_start3A = arith.constant 0 : i32
        %dma_start3A_76 = arith.constant 0 : i32
        %dma_start3A_77 = tpu.memref_slice %arg6[%dma_start3A, %dma_start3A_76] : memref<256x128xf32, #tpu.memory_space<vmem>> -> memref<128x128xf32, #tpu.memory_space<vmem>>
        %dma_start3A_78 = arith.constant 0 : i32
        %dma_start3A_79 = tpu.memref_slice %arg7[%run_scoped3A_66, %dma_start3A_78] : memref<8x128xi32, #tpu.memory_space<vmem>> -> memref<1x128xi32, #tpu.memory_space<vmem>>
        %dma_start3A_80 = tpu.memref_squeeze %dma_start3A_79 : memref<1x128xi32, #tpu.memory_space<vmem>> -> memref<128xi32, #tpu.memory_space<vmem>>
        %dma_start3A_81 = arith.constant 0 : i32
        %dma_start3A_82 = arith.constant 0 : i32
        %dma_start3A_83 = tpu.memref_slice %arg8[%dma_start3A_81, %dma_start3A_82] : memref<10000x128xf32, #tpu.memory_space<vmem_shared>> -> memref<10000x128xf32, #tpu.memory_space<vmem_shared>>
        tpu.enqueue_indirect_dma source(%dma_start3A_77 : memref<128x128xf32, #tpu.memory_space<vmem>>) target(%dma_start3A_83 : memref<10000x128xf32, #tpu.memory_space<vmem_shared>>) offsets(%dma_start3A_80 : memref<128xi32, #tpu.memory_space<vmem>>) semaphore(%run_scoped3A_75 : memref<!tpu.dma_semaphore, #tpu.memory_space<semaphore_mem>>) {add = true}
        %dma_wait3A = arith.constant 0 : i32
        %dma_wait3A_84 = arith.constant 0 : i32
        %dma_wait3A_85 = tpu.memref_slice %arg6[%dma_wait3A, %dma_wait3A_84] : memref<256x128xf32, #tpu.memory_space<vmem>> -> memref<128x128xf32, #tpu.memory_space<vmem>>
        %dma_wait3A_86 = arith.constant 0 : i32
        %dma_wait3A_87 = tpu.memref_slice %arg7[%run_scoped3A_66, %dma_wait3A_86] : memref<8x128xi32, #tpu.memory_space<vmem>> -> memref<1x128xi32, #tpu.memory_space<vmem>>
        %dma_wait3A_88 = tpu.memref_squeeze %dma_wait3A_87 : memref<1x128xi32, #tpu.memory_space<vmem>> -> memref<128xi32, #tpu.memory_space<vmem>>
        %dma_wait3A_89 = arith.constant 0 : i32
        %dma_wait3A_90 = arith.constant 0 : i32
        %dma_wait3A_91 = tpu.memref_slice %arg8[%dma_wait3A_89, %dma_wait3A_90] : memref<10000x128xf32, #tpu.memory_space<vmem_shared>> -> memref<10000x128xf32, #tpu.memory_space<vmem_shared>>
        tpu.wait_indirect_dma semaphore(%run_scoped3A_75 : memref<!tpu.dma_semaphore, #tpu.memory_space<semaphore_mem>>) src(%dma_wait3A_85 : memref<128x128xf32, #tpu.memory_space<vmem>>) dst(%dma_wait3A_91 : memref<10000x128xf32, #tpu.memory_space<vmem_shared>>)
        tpu.yield
      }) : () -> ()
      %run_scoped3A_67 = arith.constant 5 : i32
      "tpu.region"() ({
        %run_scoped3A_75 = tpu.sem_alloc : memref<!tpu.dma_semaphore, #tpu.memory_space<semaphore_mem>>
        %dma_start3A = arith.constant 128 : i32
        %dma_start3A_76 = arith.constant 0 : i32
        %dma_start3A_77 = tpu.memref_slice %arg6[%dma_start3A, %dma_start3A_76] : memref<256x128xf32, #tpu.memory_space<vmem>> -> memref<128x128xf32, #tpu.memory_space<vmem>>
        %dma_start3A_78 = arith.constant 0 : i32
        %dma_start3A_79 = tpu.memref_slice %arg7[%run_scoped3A_67, %dma_start3A_78] : memref<8x128xi32, #tpu.memory_space<vmem>> -> memref<1x128xi32, #tpu.memory_space<vmem>>
        %dma_start3A_80 = tpu.memref_squeeze %dma_start3A_79 : memref<1x128xi32, #tpu.memory_space<vmem>> -> memref<128xi32, #tpu.memory_space<vmem>>
        %dma_start3A_81 = arith.constant 0 : i32
        %dma_start3A_82 = arith.constant 0 : i32
        %dma_start3A_83 = tpu.memref_slice %arg8[%dma_start3A_81, %dma_start3A_82] : memref<10000x128xf32, #tpu.memory_space<vmem_shared>> -> memref<10000x128xf32, #tpu.memory_space<vmem_shared>>
        tpu.enqueue_indirect_dma source(%dma_start3A_77 : memref<128x128xf32, #tpu.memory_space<vmem>>) target(%dma_start3A_83 : memref<10000x128xf32, #tpu.memory_space<vmem_shared>>) offsets(%dma_start3A_80 : memref<128xi32, #tpu.memory_space<vmem>>) semaphore(%run_scoped3A_75 : memref<!tpu.dma_semaphore, #tpu.memory_space<semaphore_mem>>) {add = true}
        %dma_wait3A = arith.constant 128 : i32
        %dma_wait3A_84 = arith.constant 0 : i32
        %dma_wait3A_85 = tpu.memref_slice %arg6[%dma_wait3A, %dma_wait3A_84] : memref<256x128xf32, #tpu.memory_space<vmem>> -> memref<128x128xf32, #tpu.memory_space<vmem>>
        %dma_wait3A_86 = arith.constant 0 : i32
        %dma_wait3A_87 = tpu.memref_slice %arg7[%run_scoped3A_67, %dma_wait3A_86] : memref<8x128xi32, #tpu.memory_space<vmem>> -> memref<1x128xi32, #tpu.memory_space<vmem>>
        %dma_wait3A_88 = tpu.memref_squeeze %dma_wait3A_87 : memref<1x128xi32, #tpu.memory_space<vmem>> -> memref<128xi32, #tpu.memory_space<vmem>>
        %dma_wait3A_89 = arith.constant 0 : i32
        %dma_wait3A_90 = arith.constant 0 : i32
        %dma_wait3A_91 = tpu.memref_slice %arg8[%dma_wait3A_89, %dma_wait3A_90] : memref<10000x128xf32, #tpu.memory_space<vmem_shared>> -> memref<10000x128xf32, #tpu.memory_space<vmem_shared>>
        tpu.wait_indirect_dma semaphore(%run_scoped3A_75 : memref<!tpu.dma_semaphore, #tpu.memory_space<semaphore_mem>>) src(%dma_wait3A_85 : memref<128x128xf32, #tpu.memory_space<vmem>>) dst(%dma_wait3A_91 : memref<10000x128xf32, #tpu.memory_space<vmem_shared>>)
        tpu.yield
      }) : () -> ()
      %mul3A_68 = arith.constant 1024 : i32
      %mul3A_69 = arith.muli %add3A_44, %mul3A_68 : i32
      %add3A_70 = arith.constant 768 : i32
      %add3A_71 = arith.addi %mul3A_69, %add3A_70 : i32
      %multiple_of3A_72 = tpu.assume_multiple %add3A_71, 8 : i32
      "tpu.region"() ({
        %run_scoped3A_75 = tpu.sem_alloc : memref<!tpu.dma_semaphore, #tpu.memory_space<semaphore_mem>>
        %dma_start3A = arith.constant 0 : i32
        %dma_start3A_76 = tpu.memref_slice %arg2[%multiple_of3A_72, %dma_start3A] : memref<320000x128xf32, #tpu.memory_space<hbm>> -> memref<256x128xf32, #tpu.memory_space<hbm>>
        %dma_start3A_77 = arith.constant 0 : i32
        %dma_start3A_78 = tpu.memref_slice %arg2[%multiple_of3A_72, %dma_start3A_77] : memref<320000x128xf32, #tpu.memory_space<hbm>> -> memref<256x128xf32, #tpu.memory_space<hbm>>
        tpu.enqueue_dma source(%dma_start3A_78 : memref<256x128xf32, #tpu.memory_space<hbm>>) target(%arg6 : memref<256x128xf32, #tpu.memory_space<vmem>>) target_semaphore(%run_scoped3A_75 : memref<!tpu.dma_semaphore, #tpu.memory_space<semaphore_mem>>)
        %dma_wait3A = arith.constant 0 : i32
        %dma_wait3A_79 = tpu.memref_slice %arg2[%multiple_of3A_72, %dma_wait3A] : memref<320000x128xf32, #tpu.memory_space<hbm>> -> memref<256x128xf32, #tpu.memory_space<hbm>>
        %dma_wait3A_80 = arith.constant 0 : i32
        %dma_wait3A_81 = tpu.memref_slice %arg2[%multiple_of3A_72, %dma_wait3A_80] : memref<320000x128xf32, #tpu.memory_space<hbm>> -> memref<256x128xf32, #tpu.memory_space<hbm>>
        tpu.wait_dma2 semaphore(%run_scoped3A_75 : memref<!tpu.dma_semaphore, #tpu.memory_space<semaphore_mem>>) src(%dma_wait3A_81 : memref<256x128xf32, #tpu.memory_space<hbm>>) dst(%arg6 : memref<256x128xf32, #tpu.memory_space<vmem>>)
        tpu.yield
      }) : () -> ()
      %run_scoped3A_73 = arith.constant 6 : i32
      "tpu.region"() ({
        %run_scoped3A_75 = tpu.sem_alloc : memref<!tpu.dma_semaphore, #tpu.memory_space<semaphore_mem>>
        %dma_start3A = arith.constant 0 : i32
        %dma_start3A_76 = arith.constant 0 : i32
        %dma_start3A_77 = tpu.memref_slice %arg6[%dma_start3A, %dma_start3A_76] : memref<256x128xf32, #tpu.memory_space<vmem>> -> memref<128x128xf32, #tpu.memory_space<vmem>>
        %dma_start3A_78 = arith.constant 0 : i32
        %dma_start3A_79 = tpu.memref_slice %arg7[%run_scoped3A_73, %dma_start3A_78] : memref<8x128xi32, #tpu.memory_space<vmem>> -> memref<1x128xi32, #tpu.memory_space<vmem>>
        %dma_start3A_80 = tpu.memref_squeeze %dma_start3A_79 : memref<1x128xi32, #tpu.memory_space<vmem>> -> memref<128xi32, #tpu.memory_space<vmem>>
        %dma_start3A_81 = arith.constant 0 : i32
        %dma_start3A_82 = arith.constant 0 : i32
        %dma_start3A_83 = tpu.memref_slice %arg8[%dma_start3A_81, %dma_start3A_82] : memref<10000x128xf32, #tpu.memory_space<vmem_shared>> -> memref<10000x128xf32, #tpu.memory_space<vmem_shared>>
        tpu.enqueue_indirect_dma source(%dma_start3A_77 : memref<128x128xf32, #tpu.memory_space<vmem>>) target(%dma_start3A_83 : memref<10000x128xf32, #tpu.memory_space<vmem_shared>>) offsets(%dma_start3A_80 : memref<128xi32, #tpu.memory_space<vmem>>) semaphore(%run_scoped3A_75 : memref<!tpu.dma_semaphore, #tpu.memory_space<semaphore_mem>>) {add = true}
        %dma_wait3A = arith.constant 0 : i32
        %dma_wait3A_84 = arith.constant 0 : i32
        %dma_wait3A_85 = tpu.memref_slice %arg6[%dma_wait3A, %dma_wait3A_84] : memref<256x128xf32, #tpu.memory_space<vmem>> -> memref<128x128xf32, #tpu.memory_space<vmem>>
        %dma_wait3A_86 = arith.constant 0 : i32
        %dma_wait3A_87 = tpu.memref_slice %arg7[%run_scoped3A_73, %dma_wait3A_86] : memref<8x128xi32, #tpu.memory_space<vmem>> -> memref<1x128xi32, #tpu.memory_space<vmem>>
        %dma_wait3A_88 = tpu.memref_squeeze %dma_wait3A_87 : memref<1x128xi32, #tpu.memory_space<vmem>> -> memref<128xi32, #tpu.memory_space<vmem>>
        %dma_wait3A_89 = arith.constant 0 : i32
        %dma_wait3A_90 = arith.constant 0 : i32
        %dma_wait3A_91 = tpu.memref_slice %arg8[%dma_wait3A_89, %dma_wait3A_90] : memref<10000x128xf32, #tpu.memory_space<vmem_shared>> -> memref<10000x128xf32, #tpu.memory_space<vmem_shared>>
        tpu.wait_indirect_dma semaphore(%run_scoped3A_75 : memref<!tpu.dma_semaphore, #tpu.memory_space<semaphore_mem>>) src(%dma_wait3A_85 : memref<128x128xf32, #tpu.memory_space<vmem>>) dst(%dma_wait3A_91 : memref<10000x128xf32, #tpu.memory_space<vmem_shared>>)
        tpu.yield
      }) : () -> ()
      %run_scoped3A_74 = arith.constant 7 : i32
      "tpu.region"() ({
        %run_scoped3A_75 = tpu.sem_alloc : memref<!tpu.dma_semaphore, #tpu.memory_space<semaphore_mem>>
        %dma_start3A = arith.constant 128 : i32
        %dma_start3A_76 = arith.constant 0 : i32
        %dma_start3A_77 = tpu.memref_slice %arg6[%dma_start3A, %dma_start3A_76] : memref<256x128xf32, #tpu.memory_space<vmem>> -> memref<128x128xf32, #tpu.memory_space<vmem>>
        %dma_start3A_78 = arith.constant 0 : i32
        %dma_start3A_79 = tpu.memref_slice %arg7[%run_scoped3A_74, %dma_start3A_78] : memref<8x128xi32, #tpu.memory_space<vmem>> -> memref<1x128xi32, #tpu.memory_space<vmem>>
        %dma_start3A_80 = tpu.memref_squeeze %dma_start3A_79 : memref<1x128xi32, #tpu.memory_space<vmem>> -> memref<128xi32, #tpu.memory_space<vmem>>
        %dma_start3A_81 = arith.constant 0 : i32
        %dma_start3A_82 = arith.constant 0 : i32
        %dma_start3A_83 = tpu.memref_slice %arg8[%dma_start3A_81, %dma_start3A_82] : memref<10000x128xf32, #tpu.memory_space<vmem_shared>> -> memref<10000x128xf32, #tpu.memory_space<vmem_shared>>
        tpu.enqueue_indirect_dma source(%dma_start3A_77 : memref<128x128xf32, #tpu.memory_space<vmem>>) target(%dma_start3A_83 : memref<10000x128xf32, #tpu.memory_space<vmem_shared>>) offsets(%dma_start3A_80 : memref<128xi32, #tpu.memory_space<vmem>>) semaphore(%run_scoped3A_75 : memref<!tpu.dma_semaphore, #tpu.memory_space<semaphore_mem>>) {add = true}
        %dma_wait3A = arith.constant 128 : i32
        %dma_wait3A_84 = arith.constant 0 : i32
        %dma_wait3A_85 = tpu.memref_slice %arg6[%dma_wait3A, %dma_wait3A_84] : memref<256x128xf32, #tpu.memory_space<vmem>> -> memref<128x128xf32, #tpu.memory_space<vmem>>
        %dma_wait3A_86 = arith.constant 0 : i32
        %dma_wait3A_87 = tpu.memref_slice %arg7[%run_scoped3A_74, %dma_wait3A_86] : memref<8x128xi32, #tpu.memory_space<vmem>> -> memref<1x128xi32, #tpu.memory_space<vmem>>
        %dma_wait3A_88 = tpu.memref_squeeze %dma_wait3A_87 : memref<1x128xi32, #tpu.memory_space<vmem>> -> memref<128xi32, #tpu.memory_space<vmem>>
        %dma_wait3A_89 = arith.constant 0 : i32
        %dma_wait3A_90 = arith.constant 0 : i32
        %dma_wait3A_91 = tpu.memref_slice %arg8[%dma_wait3A_89, %dma_wait3A_90] : memref<10000x128xf32, #tpu.memory_space<vmem_shared>> -> memref<10000x128xf32, #tpu.memory_space<vmem_shared>>
        tpu.wait_indirect_dma semaphore(%run_scoped3A_75 : memref<!tpu.dma_semaphore, #tpu.memory_space<semaphore_mem>>) src(%dma_wait3A_85 : memref<128x128xf32, #tpu.memory_space<vmem>>) dst(%dma_wait3A_91 : memref<10000x128xf32, #tpu.memory_space<vmem_shared>>)
        tpu.yield
      }) : () -> ()
    }
    %eq3A_24 = arith.constant 15 : i32
    %eq3A_25 = arith.cmpi eq, %arg1, %eq3A_24 : i32
    %convert_element_type3A_26 = arith.extui %eq3A_25 : i1 to i32
    %cond3A_27 = arith.constant 0 : i32
    %cond3A_28 = arith.cmpi ne, %convert_element_type3A_26, %cond3A_27 : i32
    scf.if %cond3A_28 {
      "tpu.region"() ({
        %run_scoped3A_50 = tpu.sem_alloc : memref<!tpu.dma_semaphore, #tpu.memory_space<semaphore_mem>>
        %dma_start3A = arith.constant 2496 : i32
        %dma_start3A_51 = arith.constant 0 : i32
        %dma_start3A_52 = tpu.memref_slice %arg3[%dma_start3A, %dma_start3A_51] : memref<2504x128xi32, #tpu.memory_space<hbm>> -> memref<8x128xi32, #tpu.memory_space<hbm>>
        %dma_start3A_53 = arith.constant 2496 : i32
        %dma_start3A_54 = arith.constant 0 : i32
        %dma_start3A_55 = tpu.memref_slice %arg3[%dma_start3A_53, %dma_start3A_54] : memref<2504x128xi32, #tpu.memory_space<hbm>> -> memref<8x128xi32, #tpu.memory_space<hbm>>
        tpu.enqueue_dma source(%dma_start3A_55 : memref<8x128xi32, #tpu.memory_space<hbm>>) target(%arg7 : memref<8x128xi32, #tpu.memory_space<vmem>>) target_semaphore(%run_scoped3A_50 : memref<!tpu.dma_semaphore, #tpu.memory_space<semaphore_mem>>)
        %dma_wait3A = arith.constant 2496 : i32
        %dma_wait3A_56 = arith.constant 0 : i32
        %dma_wait3A_57 = tpu.memref_slice %arg3[%dma_wait3A, %dma_wait3A_56] : memref<2504x128xi32, #tpu.memory_space<hbm>> -> memref<8x128xi32, #tpu.memory_space<hbm>>
        %dma_wait3A_58 = arith.constant 2496 : i32
        %dma_wait3A_59 = arith.constant 0 : i32
        %dma_wait3A_60 = tpu.memref_slice %arg3[%dma_wait3A_58, %dma_wait3A_59] : memref<2504x128xi32, #tpu.memory_space<hbm>> -> memref<8x128xi32, #tpu.memory_space<hbm>>
        tpu.wait_dma2 semaphore(%run_scoped3A_50 : memref<!tpu.dma_semaphore, #tpu.memory_space<semaphore_mem>>) src(%dma_wait3A_60 : memref<8x128xi32, #tpu.memory_space<hbm>>) dst(%arg7 : memref<8x128xi32, #tpu.memory_space<vmem>>)
        tpu.yield
      }) : () -> ()
      %multiple_of3A_43 = arith.constant 319488 : i32
      %multiple_of3A_44 = tpu.assume_multiple %multiple_of3A_43, 8 : i32
      "tpu.region"() ({
        %run_scoped3A_50 = tpu.sem_alloc : memref<!tpu.dma_semaphore, #tpu.memory_space<semaphore_mem>>
        %dma_start3A = arith.constant 0 : i32
        %dma_start3A_51 = tpu.memref_slice %arg2[%multiple_of3A_44, %dma_start3A] : memref<320000x128xf32, #tpu.memory_space<hbm>> -> memref<256x128xf32, #tpu.memory_space<hbm>>
        %dma_start3A_52 = arith.constant 0 : i32
        %dma_start3A_53 = tpu.memref_slice %arg2[%multiple_of3A_44, %dma_start3A_52] : memref<320000x128xf32, #tpu.memory_space<hbm>> -> memref<256x128xf32, #tpu.memory_space<hbm>>
        tpu.enqueue_dma source(%dma_start3A_53 : memref<256x128xf32, #tpu.memory_space<hbm>>) target(%arg6 : memref<256x128xf32, #tpu.memory_space<vmem>>) target_semaphore(%run_scoped3A_50 : memref<!tpu.dma_semaphore, #tpu.memory_space<semaphore_mem>>)
        %dma_wait3A = arith.constant 0 : i32
        %dma_wait3A_54 = tpu.memref_slice %arg2[%multiple_of3A_44, %dma_wait3A] : memref<320000x128xf32, #tpu.memory_space<hbm>> -> memref<256x128xf32, #tpu.memory_space<hbm>>
        %dma_wait3A_55 = arith.constant 0 : i32
        %dma_wait3A_56 = tpu.memref_slice %arg2[%multiple_of3A_44, %dma_wait3A_55] : memref<320000x128xf32, #tpu.memory_space<hbm>> -> memref<256x128xf32, #tpu.memory_space<hbm>>
        tpu.wait_dma2 semaphore(%run_scoped3A_50 : memref<!tpu.dma_semaphore, #tpu.memory_space<semaphore_mem>>) src(%dma_wait3A_56 : memref<256x128xf32, #tpu.memory_space<hbm>>) dst(%arg6 : memref<256x128xf32, #tpu.memory_space<vmem>>)
        tpu.yield
      }) : () -> ()
      %run_scoped3A = arith.constant 0 : i32
      "tpu.region"() ({
        %run_scoped3A_50 = tpu.sem_alloc : memref<!tpu.dma_semaphore, #tpu.memory_space<semaphore_mem>>
        %dma_start3A = arith.constant 0 : i32
        %dma_start3A_51 = arith.constant 0 : i32
        %dma_start3A_52 = tpu.memref_slice %arg6[%dma_start3A, %dma_start3A_51] : memref<256x128xf32, #tpu.memory_space<vmem>> -> memref<128x128xf32, #tpu.memory_space<vmem>>
        %dma_start3A_53 = arith.constant 0 : i32
        %dma_start3A_54 = tpu.memref_slice %arg7[%run_scoped3A, %dma_start3A_53] : memref<8x128xi32, #tpu.memory_space<vmem>> -> memref<1x128xi32, #tpu.memory_space<vmem>>
        %dma_start3A_55 = tpu.memref_squeeze %dma_start3A_54 : memref<1x128xi32, #tpu.memory_space<vmem>> -> memref<128xi32, #tpu.memory_space<vmem>>
        %dma_start3A_56 = arith.constant 0 : i32
        %dma_start3A_57 = arith.constant 0 : i32
        %dma_start3A_58 = tpu.memref_slice %arg8[%dma_start3A_56, %dma_start3A_57] : memref<10000x128xf32, #tpu.memory_space<vmem_shared>> -> memref<10000x128xf32, #tpu.memory_space<vmem_shared>>
        tpu.enqueue_indirect_dma source(%dma_start3A_52 : memref<128x128xf32, #tpu.memory_space<vmem>>) target(%dma_start3A_58 : memref<10000x128xf32, #tpu.memory_space<vmem_shared>>) offsets(%dma_start3A_55 : memref<128xi32, #tpu.memory_space<vmem>>) semaphore(%run_scoped3A_50 : memref<!tpu.dma_semaphore, #tpu.memory_space<semaphore_mem>>) {add = true}
        %dma_wait3A = arith.constant 0 : i32
        %dma_wait3A_59 = arith.constant 0 : i32
        %dma_wait3A_60 = tpu.memref_slice %arg6[%dma_wait3A, %dma_wait3A_59] : memref<256x128xf32, #tpu.memory_space<vmem>> -> memref<128x128xf32, #tpu.memory_space<vmem>>
        %dma_wait3A_61 = arith.constant 0 : i32
        %dma_wait3A_62 = tpu.memref_slice %arg7[%run_scoped3A, %dma_wait3A_61] : memref<8x128xi32, #tpu.memory_space<vmem>> -> memref<1x128xi32, #tpu.memory_space<vmem>>
        %dma_wait3A_63 = tpu.memref_squeeze %dma_wait3A_62 : memref<1x128xi32, #tpu.memory_space<vmem>> -> memref<128xi32, #tpu.memory_space<vmem>>
        %dma_wait3A_64 = arith.constant 0 : i32
        %dma_wait3A_65 = arith.constant 0 : i32
        %dma_wait3A_66 = tpu.memref_slice %arg8[%dma_wait3A_64, %dma_wait3A_65] : memref<10000x128xf32, #tpu.memory_space<vmem_shared>> -> memref<10000x128xf32, #tpu.memory_space<vmem_shared>>
        tpu.wait_indirect_dma semaphore(%run_scoped3A_50 : memref<!tpu.dma_semaphore, #tpu.memory_space<semaphore_mem>>) src(%dma_wait3A_60 : memref<128x128xf32, #tpu.memory_space<vmem>>) dst(%dma_wait3A_66 : memref<10000x128xf32, #tpu.memory_space<vmem_shared>>)
        tpu.yield
      }) : () -> ()
      %run_scoped3A_45 = arith.constant 1 : i32
      "tpu.region"() ({
        %run_scoped3A_50 = tpu.sem_alloc : memref<!tpu.dma_semaphore, #tpu.memory_space<semaphore_mem>>
        %dma_start3A = arith.constant 128 : i32
        %dma_start3A_51 = arith.constant 0 : i32
        %dma_start3A_52 = tpu.memref_slice %arg6[%dma_start3A, %dma_start3A_51] : memref<256x128xf32, #tpu.memory_space<vmem>> -> memref<128x128xf32, #tpu.memory_space<vmem>>
        %dma_start3A_53 = arith.constant 0 : i32
        %dma_start3A_54 = tpu.memref_slice %arg7[%run_scoped3A_45, %dma_start3A_53] : memref<8x128xi32, #tpu.memory_space<vmem>> -> memref<1x128xi32, #tpu.memory_space<vmem>>
        %dma_start3A_55 = tpu.memref_squeeze %dma_start3A_54 : memref<1x128xi32, #tpu.memory_space<vmem>> -> memref<128xi32, #tpu.memory_space<vmem>>
        %dma_start3A_56 = arith.constant 0 : i32
        %dma_start3A_57 = arith.constant 0 : i32
        %dma_start3A_58 = tpu.memref_slice %arg8[%dma_start3A_56, %dma_start3A_57] : memref<10000x128xf32, #tpu.memory_space<vmem_shared>> -> memref<10000x128xf32, #tpu.memory_space<vmem_shared>>
        tpu.enqueue_indirect_dma source(%dma_start3A_52 : memref<128x128xf32, #tpu.memory_space<vmem>>) target(%dma_start3A_58 : memref<10000x128xf32, #tpu.memory_space<vmem_shared>>) offsets(%dma_start3A_55 : memref<128xi32, #tpu.memory_space<vmem>>) semaphore(%run_scoped3A_50 : memref<!tpu.dma_semaphore, #tpu.memory_space<semaphore_mem>>) {add = true}
        %dma_wait3A = arith.constant 128 : i32
        %dma_wait3A_59 = arith.constant 0 : i32
        %dma_wait3A_60 = tpu.memref_slice %arg6[%dma_wait3A, %dma_wait3A_59] : memref<256x128xf32, #tpu.memory_space<vmem>> -> memref<128x128xf32, #tpu.memory_space<vmem>>
        %dma_wait3A_61 = arith.constant 0 : i32
        %dma_wait3A_62 = tpu.memref_slice %arg7[%run_scoped3A_45, %dma_wait3A_61] : memref<8x128xi32, #tpu.memory_space<vmem>> -> memref<1x128xi32, #tpu.memory_space<vmem>>
        %dma_wait3A_63 = tpu.memref_squeeze %dma_wait3A_62 : memref<1x128xi32, #tpu.memory_space<vmem>> -> memref<128xi32, #tpu.memory_space<vmem>>
        %dma_wait3A_64 = arith.constant 0 : i32
        %dma_wait3A_65 = arith.constant 0 : i32
        %dma_wait3A_66 = tpu.memref_slice %arg8[%dma_wait3A_64, %dma_wait3A_65] : memref<10000x128xf32, #tpu.memory_space<vmem_shared>> -> memref<10000x128xf32, #tpu.memory_space<vmem_shared>>
        tpu.wait_indirect_dma semaphore(%run_scoped3A_50 : memref<!tpu.dma_semaphore, #tpu.memory_space<semaphore_mem>>) src(%dma_wait3A_60 : memref<128x128xf32, #tpu.memory_space<vmem>>) dst(%dma_wait3A_66 : memref<10000x128xf32, #tpu.memory_space<vmem_shared>>)
        tpu.yield
      }) : () -> ()
      %multiple_of3A_46 = arith.constant 319744 : i32
      %multiple_of3A_47 = tpu.assume_multiple %multiple_of3A_46, 8 : i32
      "tpu.region"() ({
        %run_scoped3A_50 = tpu.sem_alloc : memref<!tpu.dma_semaphore, #tpu.memory_space<semaphore_mem>>
        %dma_start3A = arith.constant 0 : i32
        %dma_start3A_51 = tpu.memref_slice %arg2[%multiple_of3A_47, %dma_start3A] : memref<320000x128xf32, #tpu.memory_space<hbm>> -> memref<256x128xf32, #tpu.memory_space<hbm>>
        %dma_start3A_52 = arith.constant 0 : i32
        %dma_start3A_53 = tpu.memref_slice %arg2[%multiple_of3A_47, %dma_start3A_52] : memref<320000x128xf32, #tpu.memory_space<hbm>> -> memref<256x128xf32, #tpu.memory_space<hbm>>
        tpu.enqueue_dma source(%dma_start3A_53 : memref<256x128xf32, #tpu.memory_space<hbm>>) target(%arg6 : memref<256x128xf32, #tpu.memory_space<vmem>>) target_semaphore(%run_scoped3A_50 : memref<!tpu.dma_semaphore, #tpu.memory_space<semaphore_mem>>)
        %dma_wait3A = arith.constant 0 : i32
        %dma_wait3A_54 = tpu.memref_slice %arg2[%multiple_of3A_47, %dma_wait3A] : memref<320000x128xf32, #tpu.memory_space<hbm>> -> memref<256x128xf32, #tpu.memory_space<hbm>>
        %dma_wait3A_55 = arith.constant 0 : i32
        %dma_wait3A_56 = tpu.memref_slice %arg2[%multiple_of3A_47, %dma_wait3A_55] : memref<320000x128xf32, #tpu.memory_space<hbm>> -> memref<256x128xf32, #tpu.memory_space<hbm>>
        tpu.wait_dma2 semaphore(%run_scoped3A_50 : memref<!tpu.dma_semaphore, #tpu.memory_space<semaphore_mem>>) src(%dma_wait3A_56 : memref<256x128xf32, #tpu.memory_space<hbm>>) dst(%arg6 : memref<256x128xf32, #tpu.memory_space<vmem>>)
        tpu.yield
      }) : () -> ()
      %run_scoped3A_48 = arith.constant 2 : i32
      "tpu.region"() ({
        %run_scoped3A_50 = tpu.sem_alloc : memref<!tpu.dma_semaphore, #tpu.memory_space<semaphore_mem>>
        %dma_start3A = arith.constant 0 : i32
        %dma_start3A_51 = arith.constant 0 : i32
        %dma_start3A_52 = tpu.memref_slice %arg6[%dma_start3A, %dma_start3A_51] : memref<256x128xf32, #tpu.memory_space<vmem>> -> memref<128x128xf32, #tpu.memory_space<vmem>>
        %dma_start3A_53 = arith.constant 0 : i32
        %dma_start3A_54 = tpu.memref_slice %arg7[%run_scoped3A_48, %dma_start3A_53] : memref<8x128xi32, #tpu.memory_space<vmem>> -> memref<1x128xi32, #tpu.memory_space<vmem>>
        %dma_start3A_55 = tpu.memref_squeeze %dma_start3A_54 : memref<1x128xi32, #tpu.memory_space<vmem>> -> memref<128xi32, #tpu.memory_space<vmem>>
        %dma_start3A_56 = arith.constant 0 : i32
        %dma_start3A_57 = arith.constant 0 : i32
        %dma_start3A_58 = tpu.memref_slice %arg8[%dma_start3A_56, %dma_start3A_57] : memref<10000x128xf32, #tpu.memory_space<vmem_shared>> -> memref<10000x128xf32, #tpu.memory_space<vmem_shared>>
        tpu.enqueue_indirect_dma source(%dma_start3A_52 : memref<128x128xf32, #tpu.memory_space<vmem>>) target(%dma_start3A_58 : memref<10000x128xf32, #tpu.memory_space<vmem_shared>>) offsets(%dma_start3A_55 : memref<128xi32, #tpu.memory_space<vmem>>) semaphore(%run_scoped3A_50 : memref<!tpu.dma_semaphore, #tpu.memory_space<semaphore_mem>>) {add = true}
        %dma_wait3A = arith.constant 0 : i32
        %dma_wait3A_59 = arith.constant 0 : i32
        %dma_wait3A_60 = tpu.memref_slice %arg6[%dma_wait3A, %dma_wait3A_59] : memref<256x128xf32, #tpu.memory_space<vmem>> -> memref<128x128xf32, #tpu.memory_space<vmem>>
        %dma_wait3A_61 = arith.constant 0 : i32
        %dma_wait3A_62 = tpu.memref_slice %arg7[%run_scoped3A_48, %dma_wait3A_61] : memref<8x128xi32, #tpu.memory_space<vmem>> -> memref<1x128xi32, #tpu.memory_space<vmem>>
        %dma_wait3A_63 = tpu.memref_squeeze %dma_wait3A_62 : memref<1x128xi32, #tpu.memory_space<vmem>> -> memref<128xi32, #tpu.memory_space<vmem>>
        %dma_wait3A_64 = arith.constant 0 : i32
        %dma_wait3A_65 = arith.constant 0 : i32
        %dma_wait3A_66 = tpu.memref_slice %arg8[%dma_wait3A_64, %dma_wait3A_65] : memref<10000x128xf32, #tpu.memory_space<vmem_shared>> -> memref<10000x128xf32, #tpu.memory_space<vmem_shared>>
        tpu.wait_indirect_dma semaphore(%run_scoped3A_50 : memref<!tpu.dma_semaphore, #tpu.memory_space<semaphore_mem>>) src(%dma_wait3A_60 : memref<128x128xf32, #tpu.memory_space<vmem>>) dst(%dma_wait3A_66 : memref<10000x128xf32, #tpu.memory_space<vmem_shared>>)
        tpu.yield
      }) : () -> ()
      %run_scoped3A_49 = arith.constant 3 : i32
      "tpu.region"() ({
        %run_scoped3A_50 = tpu.sem_alloc : memref<!tpu.dma_semaphore, #tpu.memory_space<semaphore_mem>>
        %dma_start3A = arith.constant 128 : i32
        %dma_start3A_51 = arith.constant 0 : i32
        %dma_start3A_52 = tpu.memref_slice %arg6[%dma_start3A, %dma_start3A_51] : memref<256x128xf32, #tpu.memory_space<vmem>> -> memref<128x128xf32, #tpu.memory_space<vmem>>
        %dma_start3A_53 = arith.constant 0 : i32
        %dma_start3A_54 = tpu.memref_slice %arg7[%run_scoped3A_49, %dma_start3A_53] : memref<8x128xi32, #tpu.memory_space<vmem>> -> memref<1x128xi32, #tpu.memory_space<vmem>>
        %dma_start3A_55 = tpu.memref_squeeze %dma_start3A_54 : memref<1x128xi32, #tpu.memory_space<vmem>> -> memref<128xi32, #tpu.memory_space<vmem>>
        %dma_start3A_56 = arith.constant 0 : i32
        %dma_start3A_57 = arith.constant 0 : i32
        %dma_start3A_58 = tpu.memref_slice %arg8[%dma_start3A_56, %dma_start3A_57] : memref<10000x128xf32, #tpu.memory_space<vmem_shared>> -> memref<10000x128xf32, #tpu.memory_space<vmem_shared>>
        tpu.enqueue_indirect_dma source(%dma_start3A_52 : memref<128x128xf32, #tpu.memory_space<vmem>>) target(%dma_start3A_58 : memref<10000x128xf32, #tpu.memory_space<vmem_shared>>) offsets(%dma_start3A_55 : memref<128xi32, #tpu.memory_space<vmem>>) semaphore(%run_scoped3A_50 : memref<!tpu.dma_semaphore, #tpu.memory_space<semaphore_mem>>) {add = true}
        %dma_wait3A = arith.constant 128 : i32
        %dma_wait3A_59 = arith.constant 0 : i32
        %dma_wait3A_60 = tpu.memref_slice %arg6[%dma_wait3A, %dma_wait3A_59] : memref<256x128xf32, #tpu.memory_space<vmem>> -> memref<128x128xf32, #tpu.memory_space<vmem>>
        %dma_wait3A_61 = arith.constant 0 : i32
        %dma_wait3A_62 = tpu.memref_slice %arg7[%run_scoped3A_49, %dma_wait3A_61] : memref<8x128xi32, #tpu.memory_space<vmem>> -> memref<1x128xi32, #tpu.memory_space<vmem>>
        %dma_wait3A_63 = tpu.memref_squeeze %dma_wait3A_62 : memref<1x128xi32, #tpu.memory_space<vmem>> -> memref<128xi32, #tpu.memory_space<vmem>>
        %dma_wait3A_64 = arith.constant 0 : i32
        %dma_wait3A_65 = arith.constant 0 : i32
        %dma_wait3A_66 = tpu.memref_slice %arg8[%dma_wait3A_64, %dma_wait3A_65] : memref<10000x128xf32, #tpu.memory_space<vmem_shared>> -> memref<10000x128xf32, #tpu.memory_space<vmem_shared>>
        tpu.wait_indirect_dma semaphore(%run_scoped3A_50 : memref<!tpu.dma_semaphore, #tpu.memory_space<semaphore_mem>>) src(%dma_wait3A_60 : memref<128x128xf32, #tpu.memory_space<vmem>>) dst(%dma_wait3A_66 : memref<10000x128xf32, #tpu.memory_space<vmem_shared>>)
        tpu.yield
      }) : () -> ()
    } else {
    }
    %barrier3A_29 = arith.constant 0 : index
    tpu.barrier barrier_id(%barrier3A_29)
    "tpu.region"() ({
      %run_scoped3A = tpu.sem_alloc : memref<!tpu.dma_semaphore, #tpu.memory_space<semaphore_mem>>
      %dma_start3A = arith.constant 0 : i32
      %dma_start3A_43 = tpu.memref_slice %arg8[%multiple_of3A, %dma_start3A] : memref<10000x128xf32, #tpu.memory_space<vmem_shared>> -> memref<256x128xf32, #tpu.memory_space<vmem_shared>>
      %dma_start3A_44 = arith.constant 0 : i32
      %dma_start3A_45 = tpu.memref_slice %arg8[%multiple_of3A, %dma_start3A_44] : memref<10000x128xf32, #tpu.memory_space<vmem_shared>> -> memref<256x128xf32, #tpu.memory_space<vmem_shared>>
      tpu.enqueue_dma source(%dma_start3A_45 : memref<256x128xf32, #tpu.memory_space<vmem_shared>>) target(%arg6 : memref<256x128xf32, #tpu.memory_space<vmem>>) target_semaphore(%run_scoped3A : memref<!tpu.dma_semaphore, #tpu.memory_space<semaphore_mem>>)
      %dma_wait3A = arith.constant 0 : i32
      %dma_wait3A_46 = tpu.memref_slice %arg8[%multiple_of3A, %dma_wait3A] : memref<10000x128xf32, #tpu.memory_space<vmem_shared>> -> memref<256x128xf32, #tpu.memory_space<vmem_shared>>
      %dma_wait3A_47 = arith.constant 0 : i32
      %dma_wait3A_48 = tpu.memref_slice %arg8[%multiple_of3A, %dma_wait3A_47] : memref<10000x128xf32, #tpu.memory_space<vmem_shared>> -> memref<256x128xf32, #tpu.memory_space<vmem_shared>>
      tpu.wait_dma2 semaphore(%run_scoped3A : memref<!tpu.dma_semaphore, #tpu.memory_space<semaphore_mem>>) src(%dma_wait3A_48 : memref<256x128xf32, #tpu.memory_space<vmem_shared>>) dst(%arg6 : memref<256x128xf32, #tpu.memory_space<vmem>>)
      tpu.yield
    }) : () -> ()
    "tpu.region"() ({
      %run_scoped3A = tpu.sem_alloc : memref<!tpu.dma_semaphore, #tpu.memory_space<semaphore_mem>>
      %dma_start3A = arith.constant 0 : i32
      %dma_start3A_43 = tpu.memref_slice %arg5[%multiple_of3A, %dma_start3A] : memref<10000x128xf32, #tpu.memory_space<hbm>> -> memref<256x128xf32, #tpu.memory_space<hbm>>
      %dma_start3A_44 = arith.constant 0 : i32
      %dma_start3A_45 = tpu.memref_slice %arg5[%multiple_of3A, %dma_start3A_44] : memref<10000x128xf32, #tpu.memory_space<hbm>> -> memref<256x128xf32, #tpu.memory_space<hbm>>
      tpu.enqueue_dma source(%arg6 : memref<256x128xf32, #tpu.memory_space<vmem>>) target(%dma_start3A_45 : memref<256x128xf32, #tpu.memory_space<hbm>>) target_semaphore(%run_scoped3A : memref<!tpu.dma_semaphore, #tpu.memory_space<semaphore_mem>>)
      %dma_wait3A = arith.constant 0 : i32
      %dma_wait3A_46 = tpu.memref_slice %arg5[%multiple_of3A, %dma_wait3A] : memref<10000x128xf32, #tpu.memory_space<hbm>> -> memref<256x128xf32, #tpu.memory_space<hbm>>
      %dma_wait3A_47 = arith.constant 0 : i32
      %dma_wait3A_48 = tpu.memref_slice %arg5[%multiple_of3A, %dma_wait3A_47] : memref<10000x128xf32, #tpu.memory_space<hbm>> -> memref<256x128xf32, #tpu.memory_space<hbm>>
      tpu.wait_dma2 semaphore(%run_scoped3A : memref<!tpu.dma_semaphore, #tpu.memory_space<semaphore_mem>>) src(%arg6 : memref<256x128xf32, #tpu.memory_space<vmem>>) dst(%dma_wait3A_48 : memref<256x128xf32, #tpu.memory_space<hbm>>)
      tpu.yield
    }) : () -> ()
    %add3A_30 = arith.constant 256 : i32
    %add3A_31 = arith.addi %multiple_of3A, %add3A_30 : i32
    "tpu.region"() ({
      %run_scoped3A = tpu.sem_alloc : memref<!tpu.dma_semaphore, #tpu.memory_space<semaphore_mem>>
      %dma_start3A = arith.constant 0 : i32
      %dma_start3A_43 = tpu.memref_slice %arg8[%add3A_31, %dma_start3A] : memref<10000x128xf32, #tpu.memory_space<vmem_shared>> -> memref<256x128xf32, #tpu.memory_space<vmem_shared>>
      %dma_start3A_44 = arith.constant 0 : i32
      %dma_start3A_45 = tpu.memref_slice %arg8[%add3A_31, %dma_start3A_44] : memref<10000x128xf32, #tpu.memory_space<vmem_shared>> -> memref<256x128xf32, #tpu.memory_space<vmem_shared>>
      tpu.enqueue_dma source(%dma_start3A_45 : memref<256x128xf32, #tpu.memory_space<vmem_shared>>) target(%arg6 : memref<256x128xf32, #tpu.memory_space<vmem>>) target_semaphore(%run_scoped3A : memref<!tpu.dma_semaphore, #tpu.memory_space<semaphore_mem>>)
      %dma_wait3A = arith.constant 0 : i32
      %dma_wait3A_46 = tpu.memref_slice %arg8[%add3A_31, %dma_wait3A] : memref<10000x128xf32, #tpu.memory_space<vmem_shared>> -> memref<256x128xf32, #tpu.memory_space<vmem_shared>>
      %dma_wait3A_47 = arith.constant 0 : i32
      %dma_wait3A_48 = tpu.memref_slice %arg8[%add3A_31, %dma_wait3A_47] : memref<10000x128xf32, #tpu.memory_space<vmem_shared>> -> memref<256x128xf32, #tpu.memory_space<vmem_shared>>
      tpu.wait_dma2 semaphore(%run_scoped3A : memref<!tpu.dma_semaphore, #tpu.memory_space<semaphore_mem>>) src(%dma_wait3A_48 : memref<256x128xf32, #tpu.memory_space<vmem_shared>>) dst(%arg6 : memref<256x128xf32, #tpu.memory_space<vmem>>)
      tpu.yield
    }) : () -> ()
    %add3A_32 = arith.constant 256 : i32
    %add3A_33 = arith.addi %multiple_of3A, %add3A_32 : i32
    "tpu.region"() ({
      %run_scoped3A = tpu.sem_alloc : memref<!tpu.dma_semaphore, #tpu.memory_space<semaphore_mem>>
      %dma_start3A = arith.constant 0 : i32
      %dma_start3A_43 = tpu.memref_slice %arg5[%add3A_33, %dma_start3A] : memref<10000x128xf32, #tpu.memory_space<hbm>> -> memref<256x128xf32, #tpu.memory_space<hbm>>
      %dma_start3A_44 = arith.constant 0 : i32
      %dma_start3A_45 = tpu.memref_slice %arg5[%add3A_33, %dma_start3A_44] : memref<10000x128xf32, #tpu.memory_space<hbm>> -> memref<256x128xf32, #tpu.memory_space<hbm>>
      tpu.enqueue_dma source(%arg6 : memref<256x128xf32, #tpu.memory_space<vmem>>) target(%dma_start3A_45 : memref<256x128xf32, #tpu.memory_space<hbm>>) target_semaphore(%run_scoped3A : memref<!tpu.dma_semaphore, #tpu.memory_space<semaphore_mem>>)
      %dma_wait3A = arith.constant 0 : i32
      %dma_wait3A_46 = tpu.memref_slice %arg5[%add3A_33, %dma_wait3A] : memref<10000x128xf32, #tpu.memory_space<hbm>> -> memref<256x128xf32, #tpu.memory_space<hbm>>
      %dma_wait3A_47 = arith.constant 0 : i32
      %dma_wait3A_48 = tpu.memref_slice %arg5[%add3A_33, %dma_wait3A_47] : memref<10000x128xf32, #tpu.memory_space<hbm>> -> memref<256x128xf32, #tpu.memory_space<hbm>>
      tpu.wait_dma2 semaphore(%run_scoped3A : memref<!tpu.dma_semaphore, #tpu.memory_space<semaphore_mem>>) src(%arg6 : memref<256x128xf32, #tpu.memory_space<vmem>>) dst(%dma_wait3A_48 : memref<256x128xf32, #tpu.memory_space<hbm>>)
      tpu.yield
    }) : () -> ()
    %add3A_34 = arith.constant 512 : i32
    %add3A_35 = arith.addi %multiple_of3A, %add3A_34 : i32
    "tpu.region"() ({
      %run_scoped3A = tpu.sem_alloc : memref<!tpu.dma_semaphore, #tpu.memory_space<semaphore_mem>>
      %dma_start3A = arith.constant 0 : i32
      %dma_start3A_43 = arith.constant 0 : i32
      %dma_start3A_44 = tpu.memref_slice %arg6[%dma_start3A, %dma_start3A_43] : memref<256x128xf32, #tpu.memory_space<vmem>> -> memref<112x128xf32, #tpu.memory_space<vmem>>
      %dma_start3A_45 = arith.constant 0 : i32
      %dma_start3A_46 = tpu.memref_slice %arg8[%add3A_35, %dma_start3A_45] : memref<10000x128xf32, #tpu.memory_space<vmem_shared>> -> memref<112x128xf32, #tpu.memory_space<vmem_shared>>
      %dma_start3A_47 = arith.constant 0 : i32
      %dma_start3A_48 = arith.constant 0 : i32
      %dma_start3A_49 = tpu.memref_slice %arg6[%dma_start3A_47, %dma_start3A_48] : memref<256x128xf32, #tpu.memory_space<vmem>> -> memref<112x128xf32, #tpu.memory_space<vmem>>
      %dma_start3A_50 = arith.constant 0 : i32
      %dma_start3A_51 = tpu.memref_slice %arg8[%add3A_35, %dma_start3A_50] : memref<10000x128xf32, #tpu.memory_space<vmem_shared>> -> memref<112x128xf32, #tpu.memory_space<vmem_shared>>
      tpu.enqueue_dma source(%dma_start3A_51 : memref<112x128xf32, #tpu.memory_space<vmem_shared>>) target(%dma_start3A_49 : memref<112x128xf32, #tpu.memory_space<vmem>>) target_semaphore(%run_scoped3A : memref<!tpu.dma_semaphore, #tpu.memory_space<semaphore_mem>>)
      %dma_wait3A = arith.constant 0 : i32
      %dma_wait3A_52 = arith.constant 0 : i32
      %dma_wait3A_53 = tpu.memref_slice %arg6[%dma_wait3A, %dma_wait3A_52] : memref<256x128xf32, #tpu.memory_space<vmem>> -> memref<112x128xf32, #tpu.memory_space<vmem>>
      %dma_wait3A_54 = arith.constant 0 : i32
      %dma_wait3A_55 = tpu.memref_slice %arg8[%add3A_35, %dma_wait3A_54] : memref<10000x128xf32, #tpu.memory_space<vmem_shared>> -> memref<112x128xf32, #tpu.memory_space<vmem_shared>>
      %dma_wait3A_56 = arith.constant 0 : i32
      %dma_wait3A_57 = arith.constant 0 : i32
      %dma_wait3A_58 = tpu.memref_slice %arg6[%dma_wait3A_56, %dma_wait3A_57] : memref<256x128xf32, #tpu.memory_space<vmem>> -> memref<112x128xf32, #tpu.memory_space<vmem>>
      %dma_wait3A_59 = arith.constant 0 : i32
      %dma_wait3A_60 = tpu.memref_slice %arg8[%add3A_35, %dma_wait3A_59] : memref<10000x128xf32, #tpu.memory_space<vmem_shared>> -> memref<112x128xf32, #tpu.memory_space<vmem_shared>>
      tpu.wait_dma2 semaphore(%run_scoped3A : memref<!tpu.dma_semaphore, #tpu.memory_space<semaphore_mem>>) src(%dma_wait3A_60 : memref<112x128xf32, #tpu.memory_space<vmem_shared>>) dst(%dma_wait3A_58 : memref<112x128xf32, #tpu.memory_space<vmem>>)
      tpu.yield
    }) : () -> ()
    %add3A_36 = arith.constant 512 : i32
    %add3A_37 = arith.addi %multiple_of3A, %add3A_36 : i32
    "tpu.region"() ({
      %run_scoped3A = tpu.sem_alloc : memref<!tpu.dma_semaphore, #tpu.memory_space<semaphore_mem>>
      %dma_start3A = arith.constant 0 : i32
      %dma_start3A_43 = arith.constant 0 : i32
      %dma_start3A_44 = tpu.memref_slice %arg6[%dma_start3A, %dma_start3A_43] : memref<256x128xf32, #tpu.memory_space<vmem>> -> memref<112x128xf32, #tpu.memory_space<vmem>>
      %dma_start3A_45 = arith.constant 0 : i32
      %dma_start3A_46 = tpu.memref_slice %arg5[%add3A_37, %dma_start3A_45] : memref<10000x128xf32, #tpu.memory_space<hbm>> -> memref<112x128xf32, #tpu.memory_space<hbm>>
      %dma_start3A_47 = arith.constant 0 : i32
      %dma_start3A_48 = tpu.memref_slice %arg5[%add3A_37, %dma_start3A_47] : memref<10000x128xf32, #tpu.memory_space<hbm>> -> memref<112x128xf32, #tpu.memory_space<hbm>>
      %dma_start3A_49 = arith.constant 0 : i32
      %dma_start3A_50 = arith.constant 0 : i32
      %dma_start3A_51 = tpu.memref_slice %arg6[%dma_start3A_49, %dma_start3A_50] : memref<256x128xf32, #tpu.memory_space<vmem>> -> memref<112x128xf32, #tpu.memory_space<vmem>>
      tpu.enqueue_dma source(%dma_start3A_51 : memref<112x128xf32, #tpu.memory_space<vmem>>) target(%dma_start3A_48 : memref<112x128xf32, #tpu.memory_space<hbm>>) target_semaphore(%run_scoped3A : memref<!tpu.dma_semaphore, #tpu.memory_space<semaphore_mem>>)
      %dma_wait3A = arith.constant 0 : i32
      %dma_wait3A_52 = arith.constant 0 : i32
      %dma_wait3A_53 = tpu.memref_slice %arg6[%dma_wait3A, %dma_wait3A_52] : memref<256x128xf32, #tpu.memory_space<vmem>> -> memref<112x128xf32, #tpu.memory_space<vmem>>
      %dma_wait3A_54 = arith.constant 0 : i32
      %dma_wait3A_55 = tpu.memref_slice %arg5[%add3A_37, %dma_wait3A_54] : memref<10000x128xf32, #tpu.memory_space<hbm>> -> memref<112x128xf32, #tpu.memory_space<hbm>>
      %dma_wait3A_56 = arith.constant 0 : i32
      %dma_wait3A_57 = tpu.memref_slice %arg5[%add3A_37, %dma_wait3A_56] : memref<10000x128xf32, #tpu.memory_space<hbm>> -> memref<112x128xf32, #tpu.memory_space<hbm>>
      %dma_wait3A_58 = arith.constant 0 : i32
      %dma_wait3A_59 = arith.constant 0 : i32
      %dma_wait3A_60 = tpu.memref_slice %arg6[%dma_wait3A_58, %dma_wait3A_59] : memref<256x128xf32, #tpu.memory_space<vmem>> -> memref<112x128xf32, #tpu.memory_space<vmem>>
      tpu.wait_dma2 semaphore(%run_scoped3A : memref<!tpu.dma_semaphore, #tpu.memory_space<semaphore_mem>>) src(%dma_wait3A_60 : memref<112x128xf32, #tpu.memory_space<vmem>>) dst(%dma_wait3A_57 : memref<112x128xf32, #tpu.memory_space<hbm>>)
      tpu.yield
    }) : () -> ()
    %eq3A_38 = arith.constant 0 : i32
    %eq3A_39 = arith.cmpi eq, %arg1, %eq3A_38 : i32
    %convert_element_type3A_40 = arith.extui %eq3A_39 : i1 to i32
    %cond3A_41 = arith.constant 0 : i32
    %cond3A_42 = arith.cmpi ne, %convert_element_type3A_40, %cond3A_41 : i32
    scf.if %cond3A_42 {
      "tpu.region"() ({
        %run_scoped3A = tpu.sem_alloc : memref<!tpu.dma_semaphore, #tpu.memory_space<semaphore_mem>>
        %dma_start3A = arith.constant 0 : i32
        %dma_start3A_43 = arith.constant 0 : i32
        %dma_start3A_44 = tpu.memref_slice %arg6[%dma_start3A, %dma_start3A_43] : memref<256x128xf32, #tpu.memory_space<vmem>> -> memref<16x128xf32, #tpu.memory_space<vmem>>
        %dma_start3A_45 = arith.constant 9984 : i32
        %dma_start3A_46 = arith.constant 0 : i32
        %dma_start3A_47 = tpu.memref_slice %arg8[%dma_start3A_45, %dma_start3A_46] : memref<10000x128xf32, #tpu.memory_space<vmem_shared>> -> memref<16x128xf32, #tpu.memory_space<vmem_shared>>
        %dma_start3A_48 = arith.constant 0 : i32
        %dma_start3A_49 = arith.constant 0 : i32
        %dma_start3A_50 = tpu.memref_slice %arg6[%dma_start3A_48, %dma_start3A_49] : memref<256x128xf32, #tpu.memory_space<vmem>> -> memref<16x128xf32, #tpu.memory_space<vmem>>
        %dma_start3A_51 = arith.constant 9984 : i32
        %dma_start3A_52 = arith.constant 0 : i32
        %dma_start3A_53 = tpu.memref_slice %arg8[%dma_start3A_51, %dma_start3A_52] : memref<10000x128xf32, #tpu.memory_space<vmem_shared>> -> memref<16x128xf32, #tpu.memory_space<vmem_shared>>
        tpu.enqueue_dma source(%dma_start3A_53 : memref<16x128xf32, #tpu.memory_space<vmem_shared>>) target(%dma_start3A_50 : memref<16x128xf32, #tpu.memory_space<vmem>>) target_semaphore(%run_scoped3A : memref<!tpu.dma_semaphore, #tpu.memory_space<semaphore_mem>>)
        %dma_wait3A = arith.constant 0 : i32
        %dma_wait3A_54 = arith.constant 0 : i32
        %dma_wait3A_55 = tpu.memref_slice %arg6[%dma_wait3A, %dma_wait3A_54] : memref<256x128xf32, #tpu.memory_space<vmem>> -> memref<16x128xf32, #tpu.memory_space<vmem>>
        %dma_wait3A_56 = arith.constant 9984 : i32
        %dma_wait3A_57 = arith.constant 0 : i32
        %dma_wait3A_58 = tpu.memref_slice %arg8[%dma_wait3A_56, %dma_wait3A_57] : memref<10000x128xf32, #tpu.memory_space<vmem_shared>> -> memref<16x128xf32, #tpu.memory_space<vmem_shared>>
        %dma_wait3A_59 = arith.constant 0 : i32
        %dma_wait3A_60 = arith.constant 0 : i32
        %dma_wait3A_61 = tpu.memref_slice %arg6[%dma_wait3A_59, %dma_wait3A_60] : memref<256x128xf32, #tpu.memory_space<vmem>> -> memref<16x128xf32, #tpu.memory_space<vmem>>
        %dma_wait3A_62 = arith.constant 9984 : i32
        %dma_wait3A_63 = arith.constant 0 : i32
        %dma_wait3A_64 = tpu.memref_slice %arg8[%dma_wait3A_62, %dma_wait3A_63] : memref<10000x128xf32, #tpu.memory_space<vmem_shared>> -> memref<16x128xf32, #tpu.memory_space<vmem_shared>>
        tpu.wait_dma2 semaphore(%run_scoped3A : memref<!tpu.dma_semaphore, #tpu.memory_space<semaphore_mem>>) src(%dma_wait3A_64 : memref<16x128xf32, #tpu.memory_space<vmem_shared>>) dst(%dma_wait3A_61 : memref<16x128xf32, #tpu.memory_space<vmem>>)
        tpu.yield
      }) : () -> ()
      "tpu.region"() ({
        %run_scoped3A = tpu.sem_alloc : memref<!tpu.dma_semaphore, #tpu.memory_space<semaphore_mem>>
        %dma_start3A = arith.constant 0 : i32
        %dma_start3A_43 = arith.constant 0 : i32
        %dma_start3A_44 = tpu.memref_slice %arg6[%dma_start3A, %dma_start3A_43] : memref<256x128xf32, #tpu.memory_space<vmem>> -> memref<16x128xf32, #tpu.memory_space<vmem>>
        %dma_start3A_45 = arith.constant 9984 : i32
        %dma_start3A_46 = arith.constant 0 : i32
        %dma_start3A_47 = tpu.memref_slice %arg5[%dma_start3A_45, %dma_start3A_46] : memref<10000x128xf32, #tpu.memory_space<hbm>> -> memref<16x128xf32, #tpu.memory_space<hbm>>
        %dma_start3A_48 = arith.constant 9984 : i32
        %dma_start3A_49 = arith.constant 0 : i32
        %dma_start3A_50 = tpu.memref_slice %arg5[%dma_start3A_48, %dma_start3A_49] : memref<10000x128xf32, #tpu.memory_space<hbm>> -> memref<16x128xf32, #tpu.memory_space<hbm>>
        %dma_start3A_51 = arith.constant 0 : i32
        %dma_start3A_52 = arith.constant 0 : i32
        %dma_start3A_53 = tpu.memref_slice %arg6[%dma_start3A_51, %dma_start3A_52] : memref<256x128xf32, #tpu.memory_space<vmem>> -> memref<16x128xf32, #tpu.memory_space<vmem>>
        tpu.enqueue_dma source(%dma_start3A_53 : memref<16x128xf32, #tpu.memory_space<vmem>>) target(%dma_start3A_50 : memref<16x128xf32, #tpu.memory_space<hbm>>) target_semaphore(%run_scoped3A : memref<!tpu.dma_semaphore, #tpu.memory_space<semaphore_mem>>)
        %dma_wait3A = arith.constant 0 : i32
        %dma_wait3A_54 = arith.constant 0 : i32
        %dma_wait3A_55 = tpu.memref_slice %arg6[%dma_wait3A, %dma_wait3A_54] : memref<256x128xf32, #tpu.memory_space<vmem>> -> memref<16x128xf32, #tpu.memory_space<vmem>>
        %dma_wait3A_56 = arith.constant 9984 : i32
        %dma_wait3A_57 = arith.constant 0 : i32
        %dma_wait3A_58 = tpu.memref_slice %arg5[%dma_wait3A_56, %dma_wait3A_57] : memref<10000x128xf32, #tpu.memory_space<hbm>> -> memref<16x128xf32, #tpu.memory_space<hbm>>
        %dma_wait3A_59 = arith.constant 9984 : i32
        %dma_wait3A_60 = arith.constant 0 : i32
        %dma_wait3A_61 = tpu.memref_slice %arg5[%dma_wait3A_59, %dma_wait3A_60] : memref<10000x128xf32, #tpu.memory_space<hbm>> -> memref<16x128xf32, #tpu.memory_space<hbm>>
        %dma_wait3A_62 = arith.constant 0 : i32
        %dma_wait3A_63 = arith.constant 0 : i32
        %dma_wait3A_64 = tpu.memref_slice %arg6[%dma_wait3A_62, %dma_wait3A_63] : memref<256x128xf32, #tpu.memory_space<vmem>> -> memref<16x128xf32, #tpu.memory_space<vmem>>
        tpu.wait_dma2 semaphore(%run_scoped3A : memref<!tpu.dma_semaphore, #tpu.memory_space<semaphore_mem>>) src(%dma_wait3A_64 : memref<16x128xf32, #tpu.memory_space<vmem>>) dst(%dma_wait3A_61 : memref<16x128xf32, #tpu.memory_space<hbm>>)
        tpu.yield
      }) : () -> ()
    } else {
    }
    return
  }
}

</mosaic_0001>

<sc_bundles>
// kernel: kernel.3.cloned.1.call-start
scs
__scs_entry_jumppad:
0x0: {  	(pc) =	sbr.rel $0x88, $3  }
0x1: {  	(tag) =	ssettag $0x0;
	lr =	simm.s32 $0x1  }
0x2: {  	[smem:$0x3F9F] =	sst lr;
	_ =	strace $0xD0000000  }
0x3: {  	_ = 	snop  }
0x4: {  	_ = 	snop  }
0x5: {  	_ = 	snop  }
0x6: {  	_ = 	snop  }
0x7: {  	_ = 	snop  }
__scs_overlays_trampoline_lowered:
0x8: {  	[smem:$0x3FAE] =	sst s0  }
0x9: {  	[smem:$0x3FAF] =	sst s1  }
0xa: {  	[smem:$0x3FB0] =	sst s2  }
0xb: {  	[smem:$0x3FB1] =	sst s3  }
0xc: {  	[smem:$0x3FB2] =	sst s4  }
0xd: {  	[smem:$0x3FB3] =	sst s5  }
0xe: {  	[smem:$0x3FB4] =	sst s6  }
0xf: {  	[smem:$0x3FB5] =	sst s7  }
0x10: {  	[smem:$0x3FB6] =	sst s8  }
0x11: {  	[smem:$0x3FB7] =	sst s9;
	s0 =	simm.s32 @!p0 $0x0  }
0x12: {  	s1 =	sld [smem:$0x3F9D];
	s0 =	simm.s32 @p0 $0x1  }
0x13: {  	[smem:$0x3FB8] =	sst s0;
	s0 =	simm.s32 @!p1 $0x0  }
0x14: {  	s2 =	sld [smem:$0x3F9C];
	s0 =	simm.s32 @p1 $0x1  }
0x15: {  	[smem:$0x3FB9] =	sst s0;
	s0 =	simm.s32 @!p2 $0x0  }
0x16: {  	s3 =	sld [smem:$0x3FDB];
	s0 =	simm.s32 @p2 $0x1  }
0x17: {  	s4 =	simm.s32 $0x1BF5;
	[smem:$0x3FBB] =	sst s0  }
0x18: {  	s0 =	sld [smem:$0x3F9E];
	_ =	swait.ge [sflag:s4], $0x0  }
0x19: {  	s7 =	sld [smem:$0x3F9F]  }
0x1a: {  	s8 =	sadd.s32 $0xFFFFE003, lr  }
0x1b: {  	s9 =	sadd.s32 $0xFFFFFEF7, lr;
	s5 =	simm.s32 $0xFFFFFFFF;
	p2 =	slt.u32 s8, $0xFFFFF086  }
0x1c: {  	p1 =	slt.u32 s9, $0xF7A;
	s5 =	simm.s32 @!p2 $0x0  }
0x1d: {  	s5 =	simm.s32 @p1 $0x1;
	p0 =	seq.s32 s7, s2  }
0x1e: {  	s7 =	smul.u32 @!p0 $0xF7A, s2;
	p2 =	seq.s32 @!p0 s5, $0x0  }
0x1f: {  	s9 =	smul.u32 $0xF7A, s1;
	s8 =	simm.s32 @!p0 $0x1BF5;
	p2 =	por !p2, p0  }
0x20: {  	[sflag:s8] =	ssyncset.s32 @!p0 $0xFFFFF086;
	s6 =	sadd.s32 @!p0 s3, s7;
	s7 =	simm.s32 @!p0 $0x108  }
0x21: {  	s3 =	sadd.s32 s3, s9;
	s6 =	sadd.s32 @!p0 $0x88, s6;
	s7 =	simm.s32 @p2 $0x1082  }
0x22: {  	[simem:s7], [sflag:s8] =	dma.local @!p0 [hbm:s6], $0xF7A  }
0x23: {  	s9 =	sor.u32 $0xD0000000, s2;
	s6 =	simm.s32 $0x108;
	_ =	swait.ge @!p0 [sflag:s8], $0x0  }
0x24: {  	s3 =	sadd.s32 $0x88, s3;
	s6 =	simm.s32 @!p1 $0x1082;
	[sflag:s4] =	ssyncset.s32 $0xFFFFF086  }
0x25: {  	[simem:s6], [sflag:s4] =	dma.local [hbm:s3], $0xF7A  }
0x26: {  	[smem:$0x3F9F] =	sst s1;
	(tag) =	ssettag s2;
	_ =	strace s9  }
0x27: {  	s1 =	sld [smem:$0x3FAF]  }
0x28: {  	s2 =	sld [smem:$0x3FB0]  }
0x29: {  	s4 =	sld [smem:$0x3FB2]  }
0x2a: {  	p0 =	seq.s32 s5, $0x0;
	s5 =	sld [smem:$0x3FB3]  }
0x2b: {  	s6 =	sld [smem:$0x3FB4]  }
0x2c: {  	s7 =	sld [smem:$0x3FB5]  }
0x2d: {  	s3 =	simm.s32 $0x108;
	s8 =	sld [smem:$0x3FB6]  }
0x2e: {  	s3 =	simm.s32 @!p0 $0x1082;
	s9 =	sld [smem:$0x3FB7]  }
0x2f: {  	lr =	sadd.s32 s0, s3;
	s0 =	sld [smem:$0x3FAE]  }
0x30: {  	s3 =	sld [smem:$0x3FB1]  }
0x31: {  	[smem:$0x3FBA] =	sst s10  }
0x32: {  	s10 =	sld [smem:$0x3FB8];
	_ =	sdelay $0x3  }
0x33: {  	p0 =	seq.s32 s10, $0x1;
	s10 =	sld [smem:$0x3FBA];
	_ =	sdelay $0x3  }
0x34: {  	[smem:$0x3FBA] =	sst s10  }
0x35: {  	s10 =	sld [smem:$0x3FB9];
	_ =	sdelay $0x3  }
0x36: {  	p1 =	seq.s32 s10, $0x1;
	s10 =	sld [smem:$0x3FBA];
	_ =	sdelay $0x3  }
0x37: {  	[smem:$0x3FBA] =	sst s10  }
0x38: {  	s10 =	sld [smem:$0x3FBB]  }
0x39: {  	_ = 	snop;
	(pc) =	sbr.ind lr, $3  }
0x3a: {  	_ = 	snop  }
0x3b: {  	_ = 	snop  }
0x3c: {  	p2 =	seq.s32 s10, $0x1;
	s10 =	sld [smem:$0x3FBA]  }
0x3d: {  	_ =	shalt  }
0x3e: {  	_ =	shalt  }
0x3f: {  	_ =	shalt  }
0x40: {  	_ =	shalt  }
0x41: {  	_ =	shalt  }
0x42: {  	_ =	shalt  }
0x43: {  	_ =	shalt  }
0x44: {  	_ =	shalt  }
0x45: {  	_ =	shalt  }
0x46: {  	_ =	shalt  }
0x47: {  	_ =	shalt  }
0x48: {  	_ =	shalt  }
0x49: {  	_ =	shalt  }
0x4a: {  	_ =	shalt  }
0x4b: {  	_ =	shalt  }
0x4c: {  	_ =	shalt  }
0x4d: {  	_ =	shalt  }
0x4e: {  	_ =	shalt  }
0x4f: {  	_ =	shalt  }
0x50: {  	_ =	shalt  }
0x51: {  	_ =	shalt  }
0x52: {  	_ =	shalt  }
0x53: {  	_ =	shalt  }
0x54: {  	_ =	shalt  }
0x55: {  	_ =	shalt  }
0x56: {  	_ =	shalt  }
0x57: {  	_ =	shalt  }
0x58: {  	_ =	shalt  }
0x59: {  	_ =	shalt  }
0x5a: {  	_ =	shalt  }
0x5b: {  	_ =	shalt  }
0x5c: {  	_ =	shalt  }
0x5d: {  	_ =	shalt  }
0x5e: {  	_ =	shalt  }
0x5f: {  	_ =	shalt  }
0x60: {  	_ =	shalt  }
0x61: {  	_ =	shalt  }
0x62: {  	_ =	shalt  }
0x63: {  	_ =	shalt  }
0x64: {  	_ =	shalt  }
0x65: {  	_ =	shalt  }
0x66: {  	_ =	shalt  }
0x67: {  	_ =	shalt  }
0x68: {  	_ =	shalt  }
0x69: {  	_ =	shalt  }
0x6a: {  	_ =	shalt  }
0x6b: {  	_ =	shalt  }
0x6c: {  	_ =	shalt  }
0x6d: {  	_ =	shalt  }
0x6e: {  	_ =	shalt  }
0x6f: {  	_ =	shalt  }
0x70: {  	_ =	shalt  }
0x71: {  	_ =	shalt  }
0x72: {  	_ =	shalt  }
0x73: {  	_ =	shalt  }
0x74: {  	_ =	shalt  }
0x75: {  	_ =	shalt  }
0x76: {  	_ =	shalt  }
0x77: {  	_ =	shalt  }
0x78: {  	_ =	shalt  }
0x79: {  	_ =	shalt  }
0x7a: {  	_ =	shalt  }
0x7b: {  	_ =	shalt  }
0x7c: {  	_ =	shalt  }
0x7d: {  	_ =	shalt  }
0x7e: {  	_ =	shalt  }
0x7f: {  	_ =	shalt  }
0x80: {  	_ =	shalt  }
0x81: {  	_ =	shalt  }
0x82: {  	_ =	shalt  }
0x83: {  	_ =	shalt  }
0x84: {  	_ =	shalt  }
0x85: {  	_ =	shalt  }
0x86: {  	_ =	shalt  }
0x87: {  	_ =	shalt  }
.Lfunc_end0:
.L_simem_size_0:
called_computation_lowered:
.L_overlay_start_0:
0x88: {  	s0 =	sld [smem:$0x3FD9]  }
0x89: {  	s1 =	sld [smem:$0x3FFE];
	_ =	sdelay $0x3  }
0x8a: {  	s0 =	sadd.s32 s1, s0  }
0x8b: {  	[smem:$0x3FC6] =	sst s0  }
0x8c: {  	_ = 	snop  }
0x8d: {  	s0 =	sld [smem:$0x3FC9]  }
0x8e: {  	s16 =	sld [smem:$0x3FD0];
	(tm) =	ssettm $0x1  }
0x8f: {  	s2 =	sld [smem:$0x3FFB];
	_ =	sdelay $0x3  }
0x90: {  	_ =	strace s2  }
0x91: {  	s2 =	sld [smem:$0x3FFC];
	_ =	sdelay $0x3  }
0x92: {  	_ =	strace s2  }
0x93: {  	s2 =	sld [smem:$0x3FFD];
	_ =	sdelay $0x3  }
0x94: {  	_ =	strace s2  }
0x95: {  	_ =	strace $0x8FFFFFFF  }
0x96: {  	s17 =	sld [smem:$0x3FDB];
	_ =	sdelay $0x1  }
0x97: {  	s3 =	simm.s32 $_scs_section_size  }
0x98: {  	s4 =	simm.s32 $_size__tile_overlayer_lowered;
	s5 =	simm.s32 $_tile_overlayer_lowered  }
0x99: {  	s20 =	simm.s32 $0x1BFF;
	s19 =	sshll.u32 s5, $0x1;
	s2 =	sadd.s32 s3, s17  }
0x9a: {  	s6 =	simm.s32 $0x0;
	s18 =	sshll.u32 s4, $0x1;
	s4 =	sadd.s32 s19, s2  }
0x9b: {  	[timem:s6], [sflag:s20] =	dma.local [hbm:s4], s18  }
0x9c: {  	_ =	swait.ge [sflag:s20], s18  }
0x9d: {  	s3 =	ssub.s32 $0x0, s18;
	[sflag:s20] =	ssyncset.done $0x0  }
0x9e: {  	[sflag:s20] =	ssyncadd.s32 s3;
	_ =	sdelay $0x1  }
0x9f: {  	s21 =	simm.s32 $0x1B8B  }
0xa0: {  	_ =	swait.ge [sflag:s21], $0x1  }
0xa1: {  	[sflag:s21] =	ssyncset.done $0x0  }
0xa2: {  	s23 =	simm.s32 $0x1B8E;
	s22 =	sld [smem:$0x3FFE];
	[sflag:s21] =	ssyncadd.s32 $0xFFFFFFFF  }
0xa3: {  	s24 =	simm.s32 $execute0_lowered;
	[smem:$0x3FD2] =	sst s23  }
0xa4: {  	s4 =	sshll.u32 s24, $0x1;
	_ =	strace $0x80000046;
	[dreg:$0x1] =	wrdreg $0xFFFFFFFF  }
0xa5: {  	s25 =	simm.s32 $_size_execute0_lowered;
	s2 =	sadd.s32 s2, s4;
	[dreg:$0x0] =	wrdreg $0x0  }
0xa6: {  	s4 =	sshll.u32 s25, $0x1;
	[dreg:$0x2] =	wrdreg s2  }
0xa7: {  	[dreg:$0x3] =	wrdreg s4  }
0xa8: {  	[dreg:$0x4] =	wrdreg $0xC0  }
0xa9: {  	_ =	task [dreg:s6], $0x5FFFF  }
0xaa: {  	[dreg:$0x1] =	wrdreg $0xFFFFFFFF  }
0xab: {  	[dreg:$0x0] =	wrdreg $0x60  }
0xac: {  	[dreg:$0x2] =	wrdreg s0  }
0xad: {  	[dreg:$0x3] =	wrdreg s22  }
0xae: {  	[dreg:$0x4] =	wrdreg s16  }
0xaf: {  	[dreg:$0x5] =	wrdreg $0x84000  }
0xb0: {  	[dreg:$0x6] =	wrdreg $0x9  }
0xb1: {  	_ =	task.clear_ibuf [dreg:s6], $0x7FFFF;
	_ =	strace $0x90000046  }
0xb2: {  	s26 =	simm.s32 $0x9;
	_ =	strace $0x80000048  }
0xb3: {  	_ =	swait.ge [sflag:s26], $0x1  }
0xb4: {  	[sflag:s26] =	ssyncadd.s32 $0xFFFFFFFF  }
0xb5: {  	_ =	strace $0x90000048  }
0xb6: {  	_ =	sfence  }
0xb7: {  	s28 =	sld [smem:$0x0];
	_ =	sdelay $0x1  }
0xb8: {  	s29 =	srdreg.scid  }
0xb9: {  	s30 =	sshll.u32 s29, $0xD;
	s31 =	sshrl.u32 s29, $0x2  }
0xba: {  	s1 =	sand.u32 $0x1, s29;
	s2 =	sand.u32 $0x4000, s30;
	s0 =	sadd.s32 s31, s28  }
0xbb: {  	s1 =	sor.u32 s2, s1;
	s0 =	sshll.u32 s0, $0x11  }
0xbc: {  	s0 =	sor.u32 s0, s1  }
0xbd: {  	s0 =	sadd.s32 $0x8F2B, s0  }
0xbe: {  	[sflag:s0] =	ssyncadd.remote.s32 $0x1  }
0xbf: {  	_ =	sfence.sel $0xFFFF  }
0xc0: {  	[dreg:$0x0] =	wrdreg $0xFFFFFFFF;
	(pc) =	sbr.abs _section_cstart, $3  }
0xc1: {  	[dreg:$0x1] =	wrdreg $0xFFFFFFFF  }
0xc2: {  	_ =	task.clear_ibuf [dreg:s6], $0x2FFFF;
	_ =	strace $0x9FFFFFFF  }
0xc3: {  	(tm) =	ssettm $0x7FFFFFFF  }
tec
execute0_lowered:
.L_overlay_start_1:
0x0: {  	(tag) =	ssettag $0x1  }
0x1: {  	s18 =	rddreg [dreg:$0x0]  }
0x2: {  	s7 =	rddreg [dreg:$0x1]  }
0x3: {  	s0 =	rddreg [dreg:$0x2]  }
0x4: {  	s3 =	rddreg [dreg:$0x3]  }
0x5: {  	s16 =	rddreg [dreg:$0x4];
	s1 =	simm.s32 $0x0;
	s13 =	stileid.u32  }
0x6: {  	s12 =	simm.s32 $0x13;
	s31 =	simm.s32 $0x8100;
	s30 =	simm.s32 $0x8180  }
0x7: {  	s29 =	simm.s32 $0x8200;
	s28 =	simm.s32 $0x8280;
	s4 =	smul.u32 $0x4E000, s13  }
0x8: {  	[smem:$0x7FF] =	sst s1;
	s2 =	sadd.s32 $0xA200, s7;
	s6 =	smul.u32 $0x270, s13  }
0x9: {  	s21 =	sadd.s32 $0x400, s7;
	p0 =	sne.s32 s13, $0x0;
	s11 =	smul.u32 $0x14, s13  }
0xa: {  	p1 =	sgt.u32 s13, $0x7;
	s23 =	sadd.s32 $0x1000, s18;
	s20 =	sadd.s32 $0x2000, s18  }
0xb: {  	s19 =	sadd.s32 $0x3000, s18;
	s17 =	sadd.s32 $0xA000, s7;
	s22 =	sadd.s32 $0x4E0000, s18  }
0xc: {  	s24 =	smul.u32 $0x2700, s13;
	s25 =	sadd.s32 $0x4E1000, s18;
	_ =	strace $0x80000047  }
0xd: {  	[tilespmem:s1], [sflag:$0x1] =	stream.linear.gather [hbm4b:s2+s1], $0x8000, $0x38;
	[tilespmem:$0x1BC80] =	vst v63  }
0xe: {  	s7 =	simm.s32 $0x8000;
	s12 =	simm.s32 @!p1 $0x14;
	s2 =	simm.s32 $0x1  }
0xf: {  	p1 =	por $0x0, $0x0;
	s4 =	sshrl.u32 s4, $0x2;
	_ =	swait.ge [sflag:s2], $0x8000  }
0x10: {  	s8 =	sadd.s32 $0x100, s6;
	s10 =	sadd.s32 $0x200, s6;
	[sflag:s2] =	ssyncset.done $0x0  }
0x11: {  	p2 =	sne.s32 s12, $0x1;
	s5 =	sadd.s32 s4, s3;
	[sflag:s2] =	ssyncadd.s32 $0xFFFF8000  }
0x12: {  	[spmem:s5] =	stream.linear.scatter [tilespmem:s1], [sflag:$0x1], $0x8000, $0x38;
	[tilespmem:$0x1BC80] =	vst v63  }
0x13: {  	s12 =	sadd.s32 $0xFFFFFFFF, s12;
	s14 =	sshll.u32 s8, $0x7;
	_ =	swait.ge [sflag:s2], $0x8000  }
0x14: {  	s9 =	sshll.u32 s10, $0x7;
	s26 =	sshll.u32 s8, $0x4;
	[sflag:s2] =	ssyncset.done $0x0  }
0x15: {  	s8 =	simm.s32 @!p0 $0x1;
	s6 =	sadd.s32 s14, s3;
	[sflag:s2] =	ssyncadd.s32 $0xFFFF8000  }
0x16: {  	[spmem:s6] =	stream.linear.scatter [tilespmem:s1], [sflag:$0x1], $0x8000, $0x38;
	[tilespmem:$0x1BC80] =	vst v63  }
0x17: {  	s15 =	sadd.s32 s9, s3;
	s14 =	smax.u32 s13, $0x8;
	_ =	swait.ge [sflag:s2], $0x8000  }
0x18: {  	s9 =	sadd.s32 $0x138000, s3;
	[dreg:$0x5] =	wrdreg s15;
	[sflag:s2] =	ssyncset.done $0x0  }
0x19: {  	[dreg:$0xa] =	wrdreg s17;
	s17 =	sadd.s32 s0, s24;
	[sflag:s2] =	ssyncadd.s32 $0xFFFF8000  }
0x1a: {  	[spmem:s15] =	stream.linear.scatter [tilespmem:s1], [sflag:$0x1], $0x3800, $0x38;
	[tilespmem:$0x1BC80] =	vst v63  }
0x1b: {  	s24 =	sshll.u32 s10, $0x4;
	_ =	swait.ge [sflag:s2], $0x3800;
	[dreg:$0x9] =	wrdreg s22  }
0x1c: {  	s4 =	sadd.s32 s0, s24;
	s24 =	simm.s32 $0x4000;
	[dreg:$0x8] =	wrdreg s25  }
0x1d: {  	[dreg:$0x7] =	wrdreg s17;
	s22 =	sadd.s32 s0, s26;
	[sflag:s2] =	ssyncset.done $0x0  }
0x1e: {  	s15 =	simm.s32 @!p0 $0x0;
	[dreg:$0x6] =	wrdreg s22;
	[sflag:s2] =	ssyncadd.s32 $0xFFFFC800  }
0x1f: {  	[spmem:s9] =	stream.linear.scatter @!p0 [tilespmem:s15], [sflag:$0x1], $0x800, $0x38;
	[tilespmem:$0x1BC80] =	vst v63  }
.Ltmp0:
0x20: {  	s25 =	ssub.s32 s11, s14;
	_ =	swait.ge @!p0 [sflag:s8], $0x800;
	(pc) =	sbr.rel @!p2 .LBB2_1-.Ltmp0, $4  }
0x21: {  	s17 =	sadd.s32 $0x27000, s0;
	s0 =	simm.s32 $0x8080;
	[sflag:s8] =	ssyncset.done @!p0 $0x0  }
0x22: {  	s26 =	sadd.s32 $0x8, s25;
	s22 =	simm.s32 $0x80;
	[sflag:s8] =	ssyncadd.s32 @!p0 $0xFFFFF800  }
0x23: {  	s25 =	simm.s32 $0x8380;
	s10 =	sshll.u32 s26, $0x7;
	[bflag:$0x0] =	sbarrier.arrive $0xFFFF  }
0x24: {  	s11 =	sshll.u32 s26, $0xE;
	s26 =	simm.s32 $0x8300;
	s15 =	sand.u32 $0x1FFFFF80, s10  }
0x25: {  	s14 =	sadd.s32 s21, s15  }
0x26: {  	[tilespmem:s7], [sflag:$0x1] =	stream.linear.gather [hbm4b:s14+s1], $0x400, $0x38;
	[tilespmem:$0x1BC80] =	vst v63  }
0x27: {  	_ =	swait.ge [sflag:s2], $0x400  }
0x28: {  	s14 =	sand.u32 $0x1FFFC000, s11;
	[sflag:s2] =	ssyncset.done $0x0  }
0x29: {  	s16 =	sadd.s32 s18, s14;
	[sflag:s2] =	ssyncadd.s32 $0xFFFFFC00  }
0x2a: {  	[tilespmem:s1], [sflag:$0x1] =	stream.linear.gather [hbm4b:s16+s1], $0x8000, $0x38;
	[tilespmem:$0x1BC80] =	vst v63  }
0x2b: {  	_ =	swait.ge [sflag:s2], $0x8000  }
0x2c: {  	[sflag:s2] =	ssyncset.done $0x0  }
0x2d: {  	[sflag:s2] =	ssyncadd.s32 $0xFFFF8000  }
0x2e: {  	[spmem:s3] =	stream.indirect.scatter.add.f32 [tilespmem:s1], [sflag:$0x1], $0x80, s7, s22, $0xb8;
	[tilespmem:$0x1BC80] =	vst v63  }
0x2f: {  	_ =	swait.ge [sflag:s2], $0x4000  }
0x30: {  	[sflag:s2] =	ssyncset.done $0x0  }
0x31: {  	[sflag:s2] =	ssyncadd.s32 $0xFFFFC000  }
0x32: {  	[spmem:s3] =	stream.indirect.scatter.add.f32 [tilespmem:s24], [sflag:$0x1], $0x80, s0, s22, $0xb8;
	[tilespmem:$0x1BC80] =	vst v63  }
0x33: {  	_ =	swait.ge [sflag:s2], $0x4000  }
0x34: {  	[sflag:s2] =	ssyncset.done $0x0  }
0x35: {  	s16 =	sadd.s32 s14, s23;
	[sflag:s2] =	ssyncadd.s32 $0xFFFFC000  }
0x36: {  	[tilespmem:s1], [sflag:$0x1] =	stream.linear.gather [hbm4b:s16+s1], $0x8000, $0x38;
	[tilespmem:$0x1BC80] =	vst v63  }
0x37: {  	_ =	swait.ge [sflag:s2], $0x8000  }
0x38: {  	[sflag:s2] =	ssyncset.done $0x0  }
0x39: {  	[sflag:s2] =	ssyncadd.s32 $0xFFFF8000  }
0x3a: {  	[spmem:s3] =	stream.indirect.scatter.add.f32 [tilespmem:s1], [sflag:$0x1], $0x80, s31, s22, $0xb8;
	[tilespmem:$0x1BC80] =	vst v63  }
0x3b: {  	_ =	swait.ge [sflag:s2], $0x4000  }
0x3c: {  	[sflag:s2] =	ssyncset.done $0x0  }
0x3d: {  	[sflag:s2] =	ssyncadd.s32 $0xFFFFC000  }
0x3e: {  	[spmem:s3] =	stream.indirect.scatter.add.f32 [tilespmem:s24], [sflag:$0x1], $0x80, s30, s22, $0xb8;
	[tilespmem:$0x1BC80] =	vst v63  }
0x3f: {  	_ =	swait.ge [sflag:s2], $0x4000  }
0x40: {  	[sflag:s2] =	ssyncset.done $0x0  }
0x41: {  	s16 =	sadd.s32 s14, s20;
	[sflag:s2] =	ssyncadd.s32 $0xFFFFC000  }
0x42: {  	[tilespmem:s1], [sflag:$0x1] =	stream.linear.gather [hbm4b:s16+s1], $0x8000, $0x38;
	[tilespmem:$0x1BC80] =	vst v63  }
0x43: {  	_ =	swait.ge [sflag:s2], $0x8000  }
0x44: {  	[sflag:s2] =	ssyncset.done $0x0  }
0x45: {  	[sflag:s2] =	ssyncadd.s32 $0xFFFF8000  }
0x46: {  	[spmem:s3] =	stream.indirect.scatter.add.f32 [tilespmem:s1], [sflag:$0x1], $0x80, s29, s22, $0xb8;
	[tilespmem:$0x1BC80] =	vst v63  }
0x47: {  	_ =	swait.ge [sflag:s2], $0x4000  }
0x48: {  	[sflag:s2] =	ssyncset.done $0x0  }
0x49: {  	[sflag:s2] =	ssyncadd.s32 $0xFFFFC000  }
0x4a: {  	[spmem:s3] =	stream.indirect.scatter.add.f32 [tilespmem:s24], [sflag:$0x1], $0x80, s28, s22, $0xb8;
	[tilespmem:$0x1BC80] =	vst v63  }
0x4b: {  	_ =	swait.ge [sflag:s2], $0x4000  }
0x4c: {  	[sflag:s2] =	ssyncset.done $0x0  }
0x4d: {  	s14 =	sadd.s32 s14, s19;
	[sflag:s2] =	ssyncadd.s32 $0xFFFFC000  }
0x4e: {  	[tilespmem:s1], [sflag:$0x1] =	stream.linear.gather [hbm4b:s14+s1], $0x8000, $0x38;
	[tilespmem:$0x1BC80] =	vst v63  }
0x4f: {  	_ =	swait.ge [sflag:s2], $0x8000  }
0x50: {  	[sflag:s2] =	ssyncset.done $0x0  }
0x51: {  	[sflag:s2] =	ssyncadd.s32 $0xFFFF8000  }
0x52: {  	[spmem:s3] =	stream.indirect.scatter.add.f32 [tilespmem:s1], [sflag:$0x1], $0x80, s26, s22, $0xb8;
	[tilespmem:$0x1BC80] =	vst v63  }
0x53: {  	p2 =	sne.s32 s12, $0x1;
	_ =	swait.ge [sflag:s2], $0x4000  }
.Ltmp1:
0x54: {  	[sflag:s2] =	ssyncset.done $0x0;
	(pc) =	sbr.rel @!p2 .LBB2_6-.Ltmp1, $4  }
0x55: {  	s12 =	sadd.s32 $0xFFFFFFFF, s12;
	[sflag:s2] =	ssyncadd.s32 $0xFFFFC000  }
0x56: {  	[spmem:s3] =	stream.indirect.scatter.add.f32 [tilespmem:s24], [sflag:$0x1], $0x80, s25, s22, $0xb8;
	[tilespmem:$0x1BC80] =	vst v63  }
0x57: {  	p1 =	por $0x1, $0x1;
	s14 =	sadd.s32 $0x80, s10;
	_ =	swait.ge [sflag:s2], $0x4000  }
0x58: {  	s10 =	smov.u32 s11;
	s15 =	sand.u32 $0x1FFFFF80, s14;
	[sflag:s2] =	ssyncset.done $0x0  }
.LBB2_3:
0x59: {  	s15 =	sadd.s32 s21, s15;
	[sflag:s2] =	ssyncadd.s32 $0xFFFFC000;
	s10 =	sadd.s32 $0x4000, s10  }
0x5a: {  	[tilespmem:s7], [sflag:$0x1] =	stream.linear.gather [hbm4b:s15+s1], $0x400, $0x38;
	[tilespmem:$0x1BC80] =	vst v63  }
0x5b: {  	p2 =	sne.s32 s12, $0x1;
	s12 =	sadd.s32 $0xFFFFFFFF, s12;
	_ =	swait.ge [sflag:s2], $0x400  }
0x5c: {  	s15 =	sand.u32 $0x1FFFC000, s10;
	[sflag:s2] =	ssyncset.done $0x0  }
0x5d: {  	s16 =	sadd.s32 s18, s15;
	[sflag:s2] =	ssyncadd.s32 $0xFFFFFC00  }
0x5e: {  	[tilespmem:s1], [sflag:$0x1] =	stream.linear.gather [hbm4b:s16+s1], $0x8000, $0x38;
	[tilespmem:$0x1BC80] =	vst v63  }
0x5f: {  	_ =	swait.ge [sflag:s2], $0x8000  }
0x60: {  	[sflag:s2] =	ssyncset.done $0x0  }
0x61: {  	[sflag:s2] =	ssyncadd.s32 $0xFFFF8000  }
0x62: {  	[spmem:s3] =	stream.indirect.scatter.add.f32 [tilespmem:s1], [sflag:$0x1], $0x80, s7, s22, $0xb8;
	[tilespmem:$0x1BC80] =	vst v63  }
0x63: {  	_ =	swait.ge [sflag:s2], $0x4000  }
0x64: {  	[sflag:s2] =	ssyncset.done $0x0  }
0x65: {  	[sflag:s2] =	ssyncadd.s32 $0xFFFFC000  }
0x66: {  	[spmem:s3] =	stream.indirect.scatter.add.f32 [tilespmem:s24], [sflag:$0x1], $0x80, s0, s22, $0xb8;
	[tilespmem:$0x1BC80] =	vst v63  }
0x67: {  	_ =	swait.ge [sflag:s2], $0x4000  }
0x68: {  	[sflag:s2] =	ssyncset.done $0x0  }
0x69: {  	s16 =	sadd.s32 s15, s23;
	[sflag:s2] =	ssyncadd.s32 $0xFFFFC000  }
0x6a: {  	[tilespmem:s1], [sflag:$0x1] =	stream.linear.gather [hbm4b:s16+s1], $0x8000, $0x38;
	[tilespmem:$0x1BC80] =	vst v63  }
0x6b: {  	_ =	swait.ge [sflag:s2], $0x8000  }
0x6c: {  	[sflag:s2] =	ssyncset.done $0x0  }
0x6d: {  	[sflag:s2] =	ssyncadd.s32 $0xFFFF8000  }
0x6e: {  	[spmem:s3] =	stream.indirect.scatter.add.f32 [tilespmem:s1], [sflag:$0x1], $0x80, s31, s22, $0xb8;
	[tilespmem:$0x1BC80] =	vst v63  }
0x6f: {  	_ =	swait.ge [sflag:s2], $0x4000  }
0x70: {  	[sflag:s2] =	ssyncset.done $0x0  }
0x71: {  	[sflag:s2] =	ssyncadd.s32 $0xFFFFC000  }
0x72: {  	[spmem:s3] =	stream.indirect.scatter.add.f32 [tilespmem:s24], [sflag:$0x1], $0x80, s30, s22, $0xb8;
	[tilespmem:$0x1BC80] =	vst v63  }
0x73: {  	_ =	swait.ge [sflag:s2], $0x4000  }
0x74: {  	[sflag:s2] =	ssyncset.done $0x0  }
0x75: {  	s16 =	sadd.s32 s15, s20;
	[sflag:s2] =	ssyncadd.s32 $0xFFFFC000  }
0x76: {  	[tilespmem:s1], [sflag:$0x1] =	stream.linear.gather [hbm4b:s16+s1], $0x8000, $0x38;
	[tilespmem:$0x1BC80] =	vst v63  }
0x77: {  	_ =	swait.ge [sflag:s2], $0x8000  }
0x78: {  	[sflag:s2] =	ssyncset.done $0x0  }
0x79: {  	[sflag:s2] =	ssyncadd.s32 $0xFFFF8000  }
0x7a: {  	[spmem:s3] =	stream.indirect.scatter.add.f32 [tilespmem:s1], [sflag:$0x1], $0x80, s29, s22, $0xb8;
	[tilespmem:$0x1BC80] =	vst v63  }
0x7b: {  	_ =	swait.ge [sflag:s2], $0x4000  }
0x7c: {  	[sflag:s2] =	ssyncset.done $0x0  }
0x7d: {  	[sflag:s2] =	ssyncadd.s32 $0xFFFFC000  }
0x7e: {  	[spmem:s3] =	stream.indirect.scatter.add.f32 [tilespmem:s24], [sflag:$0x1], $0x80, s28, s22, $0xb8;
	[tilespmem:$0x1BC80] =	vst v63  }
0x7f: {  	_ =	swait.ge [sflag:s2], $0x4000  }
0x80: {  	[sflag:s2] =	ssyncset.done $0x0  }
0x81: {  	s15 =	sadd.s32 s15, s19;
	[sflag:s2] =	ssyncadd.s32 $0xFFFFC000  }
0x82: {  	[tilespmem:s1], [sflag:$0x1] =	stream.linear.gather [hbm4b:s15+s1], $0x8000, $0x38;
	[tilespmem:$0x1BC80] =	vst v63  }
0x83: {  	_ =	swait.ge [sflag:s2], $0x8000  }
0x84: {  	[sflag:s2] =	ssyncset.done $0x0  }
0x85: {  	[sflag:s2] =	ssyncadd.s32 $0xFFFF8000  }
0x86: {  	[spmem:s3] =	stream.indirect.scatter.add.f32 [tilespmem:s1], [sflag:$0x1], $0x80, s26, s22, $0xb8;
	[tilespmem:$0x1BC80] =	vst v63  }
0x87: {  	_ =	swait.ge [sflag:s2], $0x4000  }
.Ltmp2:
0x88: {  	[sflag:s2] =	ssyncset.done $0x0;
	(pc) =	sbr.rel @p2 .LBB2_3-.Ltmp2, $4  }
0x89: {  	[sflag:s2] =	ssyncadd.s32 $0xFFFFC000  }
0x8a: {  	[spmem:s3] =	stream.indirect.scatter.add.f32 [tilespmem:s24], [sflag:$0x1], $0x80, s25, s22, $0xb8;
	[tilespmem:$0x1BC80] =	vst v63  }
0x8b: {  	s14 =	sadd.s32 $0x80, s14;
	_ =	swait.ge [sflag:s2], $0x4000  }
0x8c: {  	s15 =	sand.u32 $0x1FFFFF80, s14;
	[sflag:s2] =	ssyncset.done $0x0  }
0x8d: {  	s16 =	rddreg [dreg:$0x4]  }
.LBB2_5:
0x8e: {  	s12 =	sadd.s32 s21, s15;
	[sflag:s2] =	ssyncadd.s32 @p1 $0xFFFFC000;
	s10 =	sadd.s32 @p1 $0x4000, s10  }
0x8f: {  	[tilespmem:s7], [sflag:$0x1] =	stream.linear.gather [hbm4b:s12+s1], $0x400, $0x38;
	[tilespmem:$0x1BC80] =	vst v63  }
0x90: {  	s11 =	smov.u32 @p1 s10;
	_ =	swait.ge [sflag:s2], $0x400  }
0x91: {  	s10 =	sand.u32 $0x1FFFC000, s11;
	[sflag:s2] =	ssyncset.done $0x0  }
0x92: {  	s11 =	sadd.s32 s18, s10;
	[sflag:s2] =	ssyncadd.s32 $0xFFFFFC00  }
0x93: {  	[tilespmem:s1], [sflag:$0x1] =	stream.linear.gather [hbm4b:s11+s1], $0x8000, $0x38;
	[tilespmem:$0x1BC80] =	vst v63  }
0x94: {  	_ =	swait.ge [sflag:s2], $0x8000  }
0x95: {  	[sflag:s2] =	ssyncset.done $0x0  }
0x96: {  	[sflag:s2] =	ssyncadd.s32 $0xFFFF8000  }
0x97: {  	[spmem:s3] =	stream.indirect.scatter.add.f32 [tilespmem:s1], [sflag:$0x1], $0x80, s7, s22, $0xb8;
	[tilespmem:$0x1BC80] =	vst v63  }
0x98: {  	_ =	swait.ge [sflag:s2], $0x4000  }
0x99: {  	[sflag:s2] =	ssyncset.done $0x0  }
0x9a: {  	[sflag:s2] =	ssyncadd.s32 $0xFFFFC000  }
0x9b: {  	[spmem:s3] =	stream.indirect.scatter.add.f32 [tilespmem:s24], [sflag:$0x1], $0x80, s0, s22, $0xb8;
	[tilespmem:$0x1BC80] =	vst v63  }
0x9c: {  	_ =	swait.ge [sflag:s2], $0x4000  }
0x9d: {  	[sflag:s2] =	ssyncset.done $0x0  }
0x9e: {  	s21 =	sadd.s32 s10, s23;
	[sflag:s2] =	ssyncadd.s32 $0xFFFFC000  }
0x9f: {  	[tilespmem:s1], [sflag:$0x1] =	stream.linear.gather [hbm4b:s21+s1], $0x8000, $0x38;
	[tilespmem:$0x1BC80] =	vst v63  }
0xa0: {  	_ =	swait.ge [sflag:s2], $0x8000  }
0xa1: {  	[sflag:s2] =	ssyncset.done $0x0  }
0xa2: {  	[sflag:s2] =	ssyncadd.s32 $0xFFFF8000  }
0xa3: {  	[spmem:s3] =	stream.indirect.scatter.add.f32 [tilespmem:s1], [sflag:$0x1], $0x80, s31, s22, $0xb8;
	[tilespmem:$0x1BC80] =	vst v63  }
0xa4: {  	_ =	swait.ge [sflag:s2], $0x4000  }
0xa5: {  	[sflag:s2] =	ssyncset.done $0x0  }
0xa6: {  	[sflag:s2] =	ssyncadd.s32 $0xFFFFC000  }
0xa7: {  	[spmem:s3] =	stream.indirect.scatter.add.f32 [tilespmem:s24], [sflag:$0x1], $0x80, s30, s22, $0xb8;
	[tilespmem:$0x1BC80] =	vst v63  }
0xa8: {  	_ =	swait.ge [sflag:s2], $0x4000  }
0xa9: {  	[sflag:s2] =	ssyncset.done $0x0  }
0xaa: {  	s23 =	sadd.s32 s10, s20;
	[sflag:s2] =	ssyncadd.s32 $0xFFFFC000  }
0xab: {  	[tilespmem:s1], [sflag:$0x1] =	stream.linear.gather [hbm4b:s23+s1], $0x8000, $0x38;
	[tilespmem:$0x1BC80] =	vst v63  }
0xac: {  	_ =	swait.ge [sflag:s2], $0x8000  }
0xad: {  	[sflag:s2] =	ssyncset.done $0x0  }
0xae: {  	[sflag:s2] =	ssyncadd.s32 $0xFFFF8000  }
0xaf: {  	[spmem:s3] =	stream.indirect.scatter.add.f32 [tilespmem:s1], [sflag:$0x1], $0x80, s29, s22, $0xb8;
	[tilespmem:$0x1BC80] =	vst v63  }
0xb0: {  	_ =	swait.ge [sflag:s2], $0x4000  }
0xb1: {  	[sflag:s2] =	ssyncset.done $0x0  }
0xb2: {  	[sflag:s2] =	ssyncadd.s32 $0xFFFFC000  }
0xb3: {  	[spmem:s3] =	stream.indirect.scatter.add.f32 [tilespmem:s24], [sflag:$0x1], $0x80, s28, s22, $0xb8;
	[tilespmem:$0x1BC80] =	vst v63  }
0xb4: {  	_ =	swait.ge [sflag:s2], $0x4000  }
0xb5: {  	[sflag:s2] =	ssyncset.done $0x0  }
0xb6: {  	s28 =	sadd.s32 s10, s19;
	[sflag:s2] =	ssyncadd.s32 $0xFFFFC000  }
0xb7: {  	[tilespmem:s1], [sflag:$0x1] =	stream.linear.gather [hbm4b:s28+s1], $0x8000, $0x38;
	[tilespmem:$0x1BC80] =	vst v63  }
0xb8: {  	_ =	swait.ge [sflag:s2], $0x8000  }
0xb9: {  	[sflag:s2] =	ssyncset.done $0x0  }
0xba: {  	[sflag:s2] =	ssyncadd.s32 $0xFFFF8000  }
0xbb: {  	[spmem:s3] =	stream.indirect.scatter.add.f32 [tilespmem:s1], [sflag:$0x1], $0x80, s26, s22, $0xb8;
	[tilespmem:$0x1BC80] =	vst v63  }
0xbc: {  	_ =	swait.ge [sflag:s2], $0x4000  }
0xbd: {  	[sflag:s2] =	ssyncset.done $0x0  }
0xbe: {  	[sflag:s2] =	ssyncadd.s32 $0xFFFFC000  }
0xbf: {  	[spmem:s3] =	stream.indirect.scatter.add.f32 [tilespmem:s24], [sflag:$0x1], $0x80, s25, s22, $0xb8;
	[tilespmem:$0x1BC80] =	vst v63  }
0xc0: {  	p1 =	sne.s32 s13, $0xF;
	_ =	swait.ge [sflag:s2], $0x4000  }
0xc1: {  	s7 =	simm.s32 @!p1 $0x8000;
	[sflag:s2] =	ssyncset.done $0x0  }
0xc2: {  	s0 =	simm.s32 @!p1 $0x0;
	s10 =	rddreg [dreg:$0xa];
	[sflag:s2] =	ssyncadd.s32 $0xFFFFC000  }
0xc3: {  	[tilespmem:s7], [sflag:$0x1] =	stream.linear.gather @!p1 [hbm4b:s10+s0], $0x400, $0x38;
	[tilespmem:$0x1BC80] =	vst v63  }
0xc4: {  	s10 =	simm.s32 @!p1 $0x1  }
0xc5: {  	_ =	swait.ge @!p1 [sflag:s10], $0x400  }
0xc6: {  	[sflag:s10] =	ssyncset.done @!p1 $0x0  }
0xc7: {  	s11 =	rddreg [dreg:$0x9];
	[sflag:s10] =	ssyncadd.s32 @!p1 $0xFFFFFC00  }
0xc8: {  	[tilespmem:s0], [sflag:$0x1] =	stream.linear.gather @!p1 [hbm4b:s11+s0], $0x8000, $0x38;
	[tilespmem:$0x1BC80] =	vst v63  }
0xc9: {  	_ =	swait.ge @!p1 [sflag:s10], $0x8000  }
0xca: {  	[sflag:s10] =	ssyncset.done @!p1 $0x0  }
0xcb: {  	s11 =	simm.s32 @!p1 $0x80;
	[sflag:s10] =	ssyncadd.s32 @!p1 $0xFFFF8000  }
0xcc: {  	[spmem:s3] =	stream.indirect.scatter.add.f32 @!p1 [tilespmem:s0], [sflag:$0x1], $0x80, s7, s11, $0xb8;
	[tilespmem:$0x1BC80] =	vst v63  }
0xcd: {  	_ =	swait.ge @!p1 [sflag:s10], $0x4000  }
0xce: {  	[sflag:s10] =	ssyncset.done @!p1 $0x0  }
0xcf: {  	s12 =	simm.s32 @!p1 $0x4000;
	s7 =	simm.s32 @!p1 $0x8080;
	[sflag:s10] =	ssyncadd.s32 @!p1 $0xFFFFC000  }
0xd0: {  	[spmem:s3] =	stream.indirect.scatter.add.f32 @!p1 [tilespmem:s12], [sflag:$0x1], $0x80, s7, s11, $0xb8;
	[tilespmem:$0x1BC80] =	vst v63  }
0xd1: {  	_ =	swait.ge @!p1 [sflag:s10], $0x4000  }
0xd2: {  	[sflag:s10] =	ssyncset.done @!p1 $0x0  }
0xd3: {  	s7 =	rddreg [dreg:$0x8];
	[sflag:s10] =	ssyncadd.s32 @!p1 $0xFFFFC000  }
0xd4: {  	[tilespmem:s0], [sflag:$0x1] =	stream.linear.gather @!p1 [hbm4b:s7+s0], $0x8000, $0x38;
	[tilespmem:$0x1BC80] =	vst v63  }
0xd5: {  	_ =	swait.ge @!p1 [sflag:s10], $0x8000  }
0xd6: {  	[sflag:s10] =	ssyncset.done @!p1 $0x0  }
0xd7: {  	s7 =	simm.s32 @!p1 $0x8100;
	[sflag:s10] =	ssyncadd.s32 @!p1 $0xFFFF8000  }
0xd8: {  	[spmem:s3] =	stream.indirect.scatter.add.f32 @!p1 [tilespmem:s0], [sflag:$0x1], $0x80, s7, s11, $0xb8;
	[tilespmem:$0x1BC80] =	vst v63  }
0xd9: {  	_ =	swait.ge @!p1 [sflag:s10], $0x4000  }
0xda: {  	[sflag:s10] =	ssyncset.done @!p1 $0x0  }
0xdb: {  	s0 =	simm.s32 @!p1 $0x8180;
	[sflag:s10] =	ssyncadd.s32 @!p1 $0xFFFFC000  }
0xdc: {  	[spmem:s3] =	stream.indirect.scatter.add.f32 @!p1 [tilespmem:s12], [sflag:$0x1], $0x80, s0, s11, $0xb8;
	[tilespmem:$0x1BC80] =	vst v63  }
0xdd: {  	_ =	swait.ge @!p1 [sflag:s10], $0x4000  }
0xde: {  	[sflag:s10] =	ssyncset.done @!p1 $0x0  }
0xdf: {  	[sflag:s10] =	ssyncadd.s32 @!p1 $0xFFFFC000  }
0xe0: {  	[bflag:$0x0] =	sbarrier.arrive $0xFFFF  }
0xe1: {  	[tilespmem:s1], [sflag:$0x1] =	stream.linear.gather [spmem:s5], $0x8000, $0x38;
	[tilespmem:$0x1BC80] =	vst v63  }
0xe2: {  	_ =	swait.ge [sflag:s2], $0x8000  }
0xe3: {  	[sflag:s2] =	ssyncset.done $0x0  }
0xe4: {  	s29 =	rddreg [dreg:$0x7];
	[sflag:s2] =	ssyncadd.s32 $0xFFFF8000  }
0xe5: {  	[hbm4b:s29+s1] =	stream.linear.scatter [tilespmem:s1], [sflag:$0x1], $0x8000, $0x38;
	[tilespmem:$0x1BC80] =	vst v63  }
0xe6: {  	_ =	swait.ge [sflag:s2], $0x8000  }
0xe7: {  	[sflag:s2] =	ssyncset.done $0x0  }
0xe8: {  	[sflag:s2] =	ssyncadd.s32 $0xFFFF8000  }
0xe9: {  	[tilespmem:s1], [sflag:$0x1] =	stream.linear.gather [spmem:s6], $0x8000, $0x38;
	[tilespmem:$0x1BC80] =	vst v63  }
0xea: {  	_ =	swait.ge [sflag:s2], $0x8000  }
0xeb: {  	[sflag:s2] =	ssyncset.done $0x0  }
0xec: {  	s30 =	rddreg [dreg:$0x6];
	[sflag:s2] =	ssyncadd.s32 $0xFFFF8000  }
0xed: {  	[hbm4b:s30+s1] =	stream.linear.scatter [tilespmem:s1], [sflag:$0x1], $0x8000, $0x38;
	[tilespmem:$0x1BC80] =	vst v63  }
0xee: {  	_ =	swait.ge [sflag:s2], $0x8000  }
0xef: {  	[sflag:s2] =	ssyncset.done $0x0  }
0xf0: {  	s31 =	rddreg [dreg:$0x5];
	[sflag:s2] =	ssyncadd.s32 $0xFFFF8000  }
0xf1: {  	[tilespmem:s1], [sflag:$0x1] =	stream.linear.gather [spmem:s31], $0x3800, $0x38;
	[tilespmem:$0x1BC80] =	vst v63  }
0xf2: {  	_ =	swait.ge [sflag:s2], $0x3800  }
0xf3: {  	[sflag:s2] =	ssyncset.done $0x0  }
0xf4: {  	[sflag:s2] =	ssyncadd.s32 $0xFFFFC800  }
0xf5: {  	[hbm4b:s4+s1] =	stream.linear.scatter [tilespmem:s1], [sflag:$0x1], $0x3800, $0x38;
	[tilespmem:$0x1BC80] =	vst v63  }
0xf6: {  	_ =	swait.ge [sflag:s2], $0x3800  }
0xf7: {  	[sflag:s2] =	ssyncset.done $0x0  }
0xf8: {  	[sflag:s2] =	ssyncadd.s32 $0xFFFFC800  }
0xf9: {  	_ =	sfence.sel @p0 $0x180000  }
0xfa: {  	[bflag:$0x0] =	sbarrier.arrive @p0 $0xFFFF  }
0xfb: {  	_ =	strace @p0 $0x90000047  }
0xfc: {  	s0 =	simm.s32 @!p0 $0x0;
	[bflag:$0x2] =	sbarrier.arrive @p0 $0xFFFF  }
0xfd: {  	[tilespmem:s0], [sflag:$0x1] =	stream.linear.gather @!p0 [spmem:s9], $0x800, $0x38;
	[tilespmem:$0x1BC80] =	vst v63  }
0xfe: {  	_ =	swait.ge @!p0 [sflag:s8], $0x800  }
0xff: {  	[sflag:s8] =	ssyncset.done @!p0 $0x0  }
0x100: {  	[sflag:s8] =	ssyncadd.s32 @!p0 $0xFFFFF800  }
0x101: {  	[hbm4b:s17+s0] =	stream.linear.scatter @!p0 [tilespmem:s0], [sflag:$0x1], $0x800, $0x38;
	[tilespmem:$0x1BC80] =	vst v63  }
0x102: {  	_ =	swait.ge @!p0 [sflag:s8], $0x800  }
0x103: {  	[sflag:s8] =	ssyncset.done @!p0 $0x0  }
0x104: {  	[sflag:s8] =	ssyncadd.s32 @!p0 $0xFFFFF800  }
0x105: {  	_ =	sfence.sel @!p0 $0x180000  }
0x106: {  	[bflag:$0x0] =	sbarrier.arrive @!p0 $0xFFFF  }
0x107: {  	_ =	strace @!p0 $0x90000047  }
0x108: {  	s0 =	sadd.s32 @!p0 $0x100000, s16;
	[bflag:$0x2] =	sbarrier.arrive @!p0 $0xFFFF  }
0x109: {  	[sflag:s0] =	ssyncadd.tile.s32 @!p0 $0x1;
	_ =	shalt  }
.LBB2_1:
.Ltmp3:
0x10a: {  	(pc) =	sbr.rel .LBB2_5-.Ltmp3, $2  }
0x10b: {  	_ =	sdelay $0x2  }
0x10c: {  	s10 =	smov.u32 s11  }
.LBB2_6:
.Ltmp4:
0x10d: {  	(pc) =	sbr.rel .LBB2_5-.Ltmp4, $2  }
0x10e: {  	_ =	sdelay $0x2  }
0x10f: {  	s16 =	rddreg [dreg:$0x4]  }
.Lfunc_end2:
_tile_overlayer_lowered:
.L_overlay_start_2:
0x110: {  	(tag) =	ssettag $0x2  }
0x111: {  	s0 =	rddreg [dreg:$0x0];
	s2 =	stileid.u32  }
0x112: {  	s1 =	rddreg [dreg:$0x1];
	p0 =	sne.s32 s2, $0x0  }
0x113: {  	s3 =	rddreg [dreg:$0x2];
	[bflag:$0x3] =	sbarrier.arrive $0xFFFF;
	s2 =	simm.s32 @!p0 $0x1C01  }
0x114: {  	[timem:s3], [sflag:s2] =	dma.local @!p0 [hbm:s0], s1  }
0x115: {  	s0 =	simm.s32 @!p0 $0x1  }
0x116: {  	_ =	swait.ge @!p0 [sflag:s0], s1  }
0x117: {  	s1 =	ssub.s32 @!p0 $0x0, s1;
	[sflag:s0] =	ssyncset.done @!p0 $0x0  }
0x118: {  	[sflag:s0] =	ssyncadd.s32 @!p0 s1  }
0x119: {  	[bflag:$0x3] =	sbarrier.arrive $0xFFFF  }
0x11a: {  	_ =	shalt  }

</sc_bundles>
